<compile_context>
chip_gen: v7x
topology: tpu7x:2x2x1
jax: 0.10.2.dev20260603
libtpu: 0.0.44.dev20260713+nightly
codegen_flags: <defaults>
</compile_context>

<pallas_src>
import functools

import jax
import jax.numpy as jnp
from jax import lax
from jax.experimental import pallas as pl
from jax.experimental.pallas import tpu as pltpu
from jax.experimental.pallas import tpu_sc as plsc

_NC = 2
_NS = 16
_NW = _NC * _NS
_DPAD = 1024
_SPAD = 56


@functools.partial(jax.jit, static_argnames=("nb",))
def _gather_rows(table, idx2d, nb):
    b_per_w = nb // _NW
    assert b_per_w % 2 == 0
    n_pairs = b_per_w // 2
    idx_len = idx2d.shape[1]
    mesh = plsc.VectorSubcoreMesh(
        core_axis_name="c", subcore_axis_name="s",
        num_cores=_NC, num_subcores=_NS)

    @functools.partial(
        pl.kernel,
        out_type=jax.ShapeDtypeStruct((nb, _SPAD, _DPAD), jnp.float32),
        mesh=mesh,
        scratch_types=[
            pltpu.VMEM((idx_len,), jnp.int32),
            pltpu.VMEM((2, _SPAD, _DPAD), jnp.float32),
            pltpu.SemaphoreType.DMA((2,)),
            pltpu.SemaphoreType.DMA((2,)),
        ],
        compiler_params=pltpu.CompilerParams(use_tc_tiling_on_sc=True),
    )
    def run(table_hbm, idx_hbm, out_hbm, idx_v, rows_v, gsem, ssem):
        wid = lax.axis_index("s") * _NC + lax.axis_index("c")
        base = wid * b_per_w
        pltpu.sync_copy(idx_hbm.at[wid], idx_v)

        def gather(buf, k):
            return pltpu.make_async_copy(
                table_hbm.at[idx_v.at[pl.ds(k * _SPAD, _SPAD)]],
                rows_v.at[buf], gsem.at[buf])

        def store(buf, k):
            return pltpu.make_async_copy(
                rows_v.at[buf], out_hbm.at[base + k], ssem.at[buf])

        gather(0, 0).start()
        gather(1, 1).start()

        @pl.loop(0, n_pairs)
        def _pair(g):
            k0 = 2 * g
            k1 = k0 + 1
            last = b_per_w - 1
            k2 = jnp.minimum(k0 + 2, last)
            k3 = jnp.minimum(k0 + 3, last)
            gather(0, k0).wait()
            store(0, k0).start()
            gather(1, k1).wait()
            store(1, k1).start()
            store(0, k0).wait()
            gather(0, k2).start()
            store(1, k1).wait()
            gather(1, k3).start()

        gather(0, b_per_w - 1).wait()
        gather(1, b_per_w - 1).wait()

    return run(table, idx2d)


def kernel(idx, logits_table):
    nb, s = idx.shape
    v, d = logits_table.shape
    del v
    b_per_w = nb // _NW
    table = jnp.pad(logits_table, ((0, 0), (0, _DPAD - d)))
    idx_p = jnp.pad(idx.astype(jnp.int32), ((0, 0), (0, _SPAD - s)), mode="edge")
    idx2d = idx_p.reshape(_NW, b_per_w * _SPAD)
    out = _gather_rows(table, idx2d, nb)
    return out[:, :s, :d]

# --- scband reference (transcript-rebuilt; emitter-appended) ---
"""Pipeline reference for scband-bigram-14345190769311 (READ-ONLY COPY).

The authoritative reference and input builder live on the scoring server;
editing this copy changes nothing except your own understanding.
"""

import jax, jax.numpy as jnp
import numpy as np

VOCAB = 1000
BATCH = 1024
SEQ = 50


def setup_inputs(seed: int = 0) -> dict:
    key = jax.random.key(seed)
    k_idx, k_tab = jax.random.split(key)
    idx = jax.random.randint(k_idx, (BATCH, SEQ), 0, VOCAB, dtype=jnp.int64 if jax.config.jax_enable_x64 else jnp.int32)
    # learned parameter: bigram logits table [vocab, vocab]
    logits_table = jax.random.normal(k_tab, (VOCAB, VOCAB), dtype=jnp.float32) * 0.02
    return {"idx": idx, "logits_table": logits_table}


def reference(idx, logits_table):
    # Bigram.forward with targets=None: pure row gather from the logits table.
    logits = jnp.take(logits_table, idx, axis=0)  # [B, S, vocab]
    return logits

if __name__ == "__main__":
    import jax
    _d = setup_inputs()
    print(jax.jit(kernel)(*tuple(_d.values())))

</pallas_src>

<mosaic_0001>
#map = affine_map<(d0, d1) -> (0, 0)>
#map1 = affine_map<(d0, d1) -> (0, 0, 0)>
module attributes {stable_mosaic.version = 14 : i64} {
  func.func @run(%arg0: i32, %arg1: i32, %arg2: memref<1000x1024xf32, #tpu.memory_space<hbm>>, %arg3: memref<32x1792xi32, #tpu.memory_space<hbm>>, %arg4: memref<1024x56x1024xf32, #tpu.memory_space<hbm>>, %arg5: memref<1792xi32, #tpu.memory_space<vmem>>, %arg6: memref<2x56x1024xf32, #tpu.memory_space<vmem>>, %arg7: memref<2x!tpu.dma_semaphore, #tpu.memory_space<semaphore_mem>>, %arg8: memref<2x!tpu.dma_semaphore, #tpu.memory_space<semaphore_mem>>) attributes {dimension_semantics = [#tpu.dimension_semantics<core_parallel>, #tpu.dimension_semantics<subcore_parallel>], iteration_bounds = array<i64: 2, 16>, scalar_prefetch = 0 : i64, scratch_operands = 4 : i64, tpu.core_type = #tpu.core_type<sc_vector_subcore>, window_params = [{transform_indices = #map}, {transform_indices = #map}, {transform_indices = #map1}]} {
    %mul3A = arith.constant 2 : i32
    %mul3A_0 = arith.muli %arg1, %mul3A : i32
    %add3A = arith.addi %mul3A_0, %arg0 : i32
    %mul3A_1 = arith.constant 32 : i32
    %mul3A_2 = arith.muli %add3A, %mul3A_1 : i32
    "tpu.region"() ({
      %run_scoped3A = tpu.sem_alloc : memref<!tpu.dma_semaphore, #tpu.memory_space<semaphore_mem>>
      %dma_start3A_57 = arith.constant 0 : i32
      %dma_start3A_58 = tpu.memref_slice %arg3[%add3A, %dma_start3A_57] : memref<32x1792xi32, #tpu.memory_space<hbm>> -> memref<1x1792xi32, #tpu.memory_space<hbm>>
      %dma_start3A_59 = tpu.memref_squeeze %dma_start3A_58 : memref<1x1792xi32, #tpu.memory_space<hbm>> -> memref<1792xi32, #tpu.memory_space<hbm>>
      %dma_start3A_60 = arith.constant 0 : i32
      %dma_start3A_61 = tpu.memref_slice %arg3[%add3A, %dma_start3A_60] : memref<32x1792xi32, #tpu.memory_space<hbm>> -> memref<1x1792xi32, #tpu.memory_space<hbm>>
      %dma_start3A_62 = tpu.memref_squeeze %dma_start3A_61 : memref<1x1792xi32, #tpu.memory_space<hbm>> -> memref<1792xi32, #tpu.memory_space<hbm>>
      tpu.enqueue_dma source(%dma_start3A_62 : memref<1792xi32, #tpu.memory_space<hbm>>) target(%arg5 : memref<1792xi32, #tpu.memory_space<vmem>>) target_semaphore(%run_scoped3A : memref<!tpu.dma_semaphore, #tpu.memory_space<semaphore_mem>>)
      %dma_wait3A_63 = arith.constant 0 : i32
      %dma_wait3A_64 = tpu.memref_slice %arg3[%add3A, %dma_wait3A_63] : memref<32x1792xi32, #tpu.memory_space<hbm>> -> memref<1x1792xi32, #tpu.memory_space<hbm>>
      %dma_wait3A_65 = tpu.memref_squeeze %dma_wait3A_64 : memref<1x1792xi32, #tpu.memory_space<hbm>> -> memref<1792xi32, #tpu.memory_space<hbm>>
      %dma_wait3A_66 = arith.constant 0 : i32
      %dma_wait3A_67 = tpu.memref_slice %arg3[%add3A, %dma_wait3A_66] : memref<32x1792xi32, #tpu.memory_space<hbm>> -> memref<1x1792xi32, #tpu.memory_space<hbm>>
      %dma_wait3A_68 = tpu.memref_squeeze %dma_wait3A_67 : memref<1x1792xi32, #tpu.memory_space<hbm>> -> memref<1792xi32, #tpu.memory_space<hbm>>
      tpu.wait_dma2 semaphore(%run_scoped3A : memref<!tpu.dma_semaphore, #tpu.memory_space<semaphore_mem>>) src(%dma_wait3A_68 : memref<1792xi32, #tpu.memory_space<hbm>>) dst(%arg5 : memref<1792xi32, #tpu.memory_space<vmem>>)
      tpu.yield
    }) : () -> ()
    %dma_start3A = arith.constant 0 : i32
    %dma_start3A_3 = arith.constant 0 : i32
    %dma_start3A_4 = arith.constant 0 : i32
    %dma_start3A_5 = arith.constant 0 : i32
    %dma_start3A_6 = tpu.memref_slice %arg6[%dma_start3A, %dma_start3A_4, %dma_start3A_5] : memref<2x56x1024xf32, #tpu.memory_space<vmem>> -> memref<1x56x1024xf32, #tpu.memory_space<vmem>>
    %dma_start3A_7 = tpu.memref_squeeze %dma_start3A_6 : memref<1x56x1024xf32, #tpu.memory_space<vmem>> -> memref<56x1024xf32, #tpu.memory_space<vmem>>
    %dma_start3A_8 = arith.constant 0 : i32
    %dma_start3A_9 = tpu.memref_slice %arg5[%dma_start3A_8] : memref<1792xi32, #tpu.memory_space<vmem>> -> memref<56xi32, #tpu.memory_space<vmem>>
    %dma_start3A_10 = arith.constant 0 : i32
    %dma_start3A_11 = arith.constant 0 : i32
    %dma_start3A_12 = tpu.memref_slice %arg2[%dma_start3A_10, %dma_start3A_11] : memref<1000x1024xf32, #tpu.memory_space<hbm>> -> memref<1000x1024xf32, #tpu.memory_space<hbm>>
    %dma_start3A_13 = tpu.memref_slice %arg7[%dma_start3A_3] : memref<2x!tpu.dma_semaphore, #tpu.memory_space<semaphore_mem>> -> memref<1x!tpu.dma_semaphore, #tpu.memory_space<semaphore_mem>>
    %dma_start3A_14 = tpu.memref_squeeze %dma_start3A_13 : memref<1x!tpu.dma_semaphore, #tpu.memory_space<semaphore_mem>> -> memref<!tpu.dma_semaphore, #tpu.memory_space<semaphore_mem>>
    tpu.enqueue_indirect_dma source(%dma_start3A_12 : memref<1000x1024xf32, #tpu.memory_space<hbm>>) target(%dma_start3A_7 : memref<56x1024xf32, #tpu.memory_space<vmem>>) offsets(%dma_start3A_9 : memref<56xi32, #tpu.memory_space<vmem>>) semaphore(%dma_start3A_14 : memref<!tpu.dma_semaphore, #tpu.memory_space<semaphore_mem>>)
    %dma_start3A_15 = arith.constant 1 : i32
    %dma_start3A_16 = arith.constant 1 : i32
    %dma_start3A_17 = arith.constant 0 : i32
    %dma_start3A_18 = arith.constant 0 : i32
    %dma_start3A_19 = tpu.memref_slice %arg6[%dma_start3A_15, %dma_start3A_17, %dma_start3A_18] : memref<2x56x1024xf32, #tpu.memory_space<vmem>> -> memref<1x56x1024xf32, #tpu.memory_space<vmem>>
    %dma_start3A_20 = tpu.memref_squeeze %dma_start3A_19 : memref<1x56x1024xf32, #tpu.memory_space<vmem>> -> memref<56x1024xf32, #tpu.memory_space<vmem>>
    %dma_start3A_21 = arith.constant 56 : i32
    %dma_start3A_22 = tpu.memref_slice %arg5[%dma_start3A_21] : memref<1792xi32, #tpu.memory_space<vmem>> -> memref<56xi32, #tpu.memory_space<vmem>>
    %dma_start3A_23 = arith.constant 0 : i32
    %dma_start3A_24 = arith.constant 0 : i32
    %dma_start3A_25 = tpu.memref_slice %arg2[%dma_start3A_23, %dma_start3A_24] : memref<1000x1024xf32, #tpu.memory_space<hbm>> -> memref<1000x1024xf32, #tpu.memory_space<hbm>>
    %dma_start3A_26 = tpu.memref_slice %arg7[%dma_start3A_16] : memref<2x!tpu.dma_semaphore, #tpu.memory_space<semaphore_mem>> -> memref<1x!tpu.dma_semaphore, #tpu.memory_space<semaphore_mem>>
    %dma_start3A_27 = tpu.memref_squeeze %dma_start3A_26 : memref<1x!tpu.dma_semaphore, #tpu.memory_space<semaphore_mem>> -> memref<!tpu.dma_semaphore, #tpu.memory_space<semaphore_mem>>
    tpu.enqueue_indirect_dma source(%dma_start3A_25 : memref<1000x1024xf32, #tpu.memory_space<hbm>>) target(%dma_start3A_20 : memref<56x1024xf32, #tpu.memory_space<vmem>>) offsets(%dma_start3A_22 : memref<56xi32, #tpu.memory_space<vmem>>) semaphore(%dma_start3A_27 : memref<!tpu.dma_semaphore, #tpu.memory_space<semaphore_mem>>)
    %scan3A = arith.constant 0 : i32
    %scan3A_28 = arith.constant 16 : i32
    %scan3A_29 = arith.addi %scan3A, %scan3A_28 : i32
    %scan3A_30 = arith.constant 1 : i32
    scf.for %scan3A_57 = %scan3A to %scan3A_29 step %scan3A_30  : i32 {
      %mul3A_58 = arith.constant 1 : i32
      %mul3A_59 = arith.muli %scan3A_57, %mul3A_58 : i32
      %add3A_60 = arith.constant 0 : i32
      %add3A_61 = arith.addi %add3A_60, %mul3A_59 : i32
      %mul3A_62 = arith.constant 2 : i32
      %mul3A_63 = arith.muli %mul3A_62, %add3A_61 : i32
      %add3A_64 = arith.constant 1 : i32
      %add3A_65 = arith.addi %mul3A_63, %add3A_64 : i32
      %add3A_66 = arith.constant 2 : i32
      %add3A_67 = arith.addi %mul3A_63, %add3A_66 : i32
      %min3A = arith.constant 31 : i32
      %min3A_68 = arith.minsi %add3A_67, %min3A : i32
      %add3A_69 = arith.constant 3 : i32
      %add3A_70 = arith.addi %mul3A_63, %add3A_69 : i32
      %min3A_71 = arith.constant 31 : i32
      %min3A_72 = arith.minsi %add3A_70, %min3A_71 : i32
      %mul3A_73 = arith.constant 56 : i32
      %mul3A_74 = arith.muli %mul3A_63, %mul3A_73 : i32
      %dma_wait3A_75 = arith.constant 0 : i32
      %dma_wait3A_76 = arith.constant 0 : i32
      %dma_wait3A_77 = arith.constant 0 : i32
      %dma_wait3A_78 = arith.constant 0 : i32
      %dma_wait3A_79 = tpu.memref_slice %arg6[%dma_wait3A_75, %dma_wait3A_77, %dma_wait3A_78] : memref<2x56x1024xf32, #tpu.memory_space<vmem>> -> memref<1x56x1024xf32, #tpu.memory_space<vmem>>
      %dma_wait3A_80 = tpu.memref_squeeze %dma_wait3A_79 : memref<1x56x1024xf32, #tpu.memory_space<vmem>> -> memref<56x1024xf32, #tpu.memory_space<vmem>>
      %dma_wait3A_81 = tpu.memref_slice %arg5[%mul3A_74] : memref<1792xi32, #tpu.memory_space<vmem>> -> memref<56xi32, #tpu.memory_space<vmem>>
      %dma_wait3A_82 = arith.constant 0 : i32
      %dma_wait3A_83 = arith.constant 0 : i32
      %dma_wait3A_84 = tpu.memref_slice %arg2[%dma_wait3A_82, %dma_wait3A_83] : memref<1000x1024xf32, #tpu.memory_space<hbm>> -> memref<1000x1024xf32, #tpu.memory_space<hbm>>
      %dma_wait3A_85 = tpu.memref_slice %arg7[%dma_wait3A_76] : memref<2x!tpu.dma_semaphore, #tpu.memory_space<semaphore_mem>> -> memref<1x!tpu.dma_semaphore, #tpu.memory_space<semaphore_mem>>
      %dma_wait3A_86 = tpu.memref_squeeze %dma_wait3A_85 : memref<1x!tpu.dma_semaphore, #tpu.memory_space<semaphore_mem>> -> memref<!tpu.dma_semaphore, #tpu.memory_space<semaphore_mem>>
      tpu.wait_indirect_dma semaphore(%dma_wait3A_86 : memref<!tpu.dma_semaphore, #tpu.memory_space<semaphore_mem>>) src(%dma_wait3A_84 : memref<1000x1024xf32, #tpu.memory_space<hbm>>) dst(%dma_wait3A_80 : memref<56x1024xf32, #tpu.memory_space<vmem>>)
      %add3A_87 = arith.addi %mul3A_2, %mul3A_63 : i32
      %dma_start3A_88 = arith.constant 0 : i32
      %dma_start3A_89 = arith.constant 0 : i32
      %dma_start3A_90 = arith.constant 0 : i32
      %dma_start3A_91 = arith.constant 0 : i32
      %dma_start3A_92 = tpu.memref_slice %arg6[%dma_start3A_88, %dma_start3A_90, %dma_start3A_91] : memref<2x56x1024xf32, #tpu.memory_space<vmem>> -> memref<1x56x1024xf32, #tpu.memory_space<vmem>>
      %dma_start3A_93 = tpu.memref_squeeze %dma_start3A_92 : memref<1x56x1024xf32, #tpu.memory_space<vmem>> -> memref<56x1024xf32, #tpu.memory_space<vmem>>
      %dma_start3A_94 = arith.constant 0 : i32
      %dma_start3A_95 = arith.constant 0 : i32
      %dma_start3A_96 = tpu.memref_slice %arg4[%add3A_87, %dma_start3A_94, %dma_start3A_95] : memref<1024x56x1024xf32, #tpu.memory_space<hbm>> -> memref<1x56x1024xf32, #tpu.memory_space<hbm>>
      %dma_start3A_97 = tpu.memref_squeeze %dma_start3A_96 : memref<1x56x1024xf32, #tpu.memory_space<hbm>> -> memref<56x1024xf32, #tpu.memory_space<hbm>>
      %dma_start3A_98 = tpu.memref_slice %arg8[%dma_start3A_89] : memref<2x!tpu.dma_semaphore, #tpu.memory_space<semaphore_mem>> -> memref<1x!tpu.dma_semaphore, #tpu.memory_space<semaphore_mem>>
      %dma_start3A_99 = tpu.memref_squeeze %dma_start3A_98 : memref<1x!tpu.dma_semaphore, #tpu.memory_space<semaphore_mem>> -> memref<!tpu.dma_semaphore, #tpu.memory_space<semaphore_mem>>
      %dma_start3A_100 = arith.constant 0 : i32
      %dma_start3A_101 = arith.constant 0 : i32
      %dma_start3A_102 = tpu.memref_slice %arg4[%add3A_87, %dma_start3A_100, %dma_start3A_101] : memref<1024x56x1024xf32, #tpu.memory_space<hbm>> -> memref<1x56x1024xf32, #tpu.memory_space<hbm>>
      %dma_start3A_103 = tpu.memref_squeeze %dma_start3A_102 : memref<1x56x1024xf32, #tpu.memory_space<hbm>> -> memref<56x1024xf32, #tpu.memory_space<hbm>>
      %dma_start3A_104 = arith.constant 0 : i32
      %dma_start3A_105 = arith.constant 0 : i32
      %dma_start3A_106 = tpu.memref_slice %arg6[%dma_start3A_88, %dma_start3A_104, %dma_start3A_105] : memref<2x56x1024xf32, #tpu.memory_space<vmem>> -> memref<1x56x1024xf32, #tpu.memory_space<vmem>>
      %dma_start3A_107 = tpu.memref_squeeze %dma_start3A_106 : memref<1x56x1024xf32, #tpu.memory_space<vmem>> -> memref<56x1024xf32, #tpu.memory_space<vmem>>
      tpu.enqueue_dma source(%dma_start3A_107 : memref<56x1024xf32, #tpu.memory_space<vmem>>) target(%dma_start3A_103 : memref<56x1024xf32, #tpu.memory_space<hbm>>) target_semaphore(%dma_start3A_99 : memref<!tpu.dma_semaphore, #tpu.memory_space<semaphore_mem>>)
      %mul3A_108 = arith.constant 56 : i32
      %mul3A_109 = arith.muli %add3A_65, %mul3A_108 : i32
      %dma_wait3A_110 = arith.constant 1 : i32
      %dma_wait3A_111 = arith.constant 1 : i32
      %dma_wait3A_112 = arith.constant 0 : i32
      %dma_wait3A_113 = arith.constant 0 : i32
      %dma_wait3A_114 = tpu.memref_slice %arg6[%dma_wait3A_110, %dma_wait3A_112, %dma_wait3A_113] : memref<2x56x1024xf32, #tpu.memory_space<vmem>> -> memref<1x56x1024xf32, #tpu.memory_space<vmem>>
      %dma_wait3A_115 = tpu.memref_squeeze %dma_wait3A_114 : memref<1x56x1024xf32, #tpu.memory_space<vmem>> -> memref<56x1024xf32, #tpu.memory_space<vmem>>
      %dma_wait3A_116 = tpu.memref_slice %arg5[%mul3A_109] : memref<1792xi32, #tpu.memory_space<vmem>> -> memref<56xi32, #tpu.memory_space<vmem>>
      %dma_wait3A_117 = arith.constant 0 : i32
      %dma_wait3A_118 = arith.constant 0 : i32
      %dma_wait3A_119 = tpu.memref_slice %arg2[%dma_wait3A_117, %dma_wait3A_118] : memref<1000x1024xf32, #tpu.memory_space<hbm>> -> memref<1000x1024xf32, #tpu.memory_space<hbm>>
      %dma_wait3A_120 = tpu.memref_slice %arg7[%dma_wait3A_111] : memref<2x!tpu.dma_semaphore, #tpu.memory_space<semaphore_mem>> -> memref<1x!tpu.dma_semaphore, #tpu.memory_space<semaphore_mem>>
      %dma_wait3A_121 = tpu.memref_squeeze %dma_wait3A_120 : memref<1x!tpu.dma_semaphore, #tpu.memory_space<semaphore_mem>> -> memref<!tpu.dma_semaphore, #tpu.memory_space<semaphore_mem>>
      tpu.wait_indirect_dma semaphore(%dma_wait3A_121 : memref<!tpu.dma_semaphore, #tpu.memory_space<semaphore_mem>>) src(%dma_wait3A_119 : memref<1000x1024xf32, #tpu.memory_space<hbm>>) dst(%dma_wait3A_115 : memref<56x1024xf32, #tpu.memory_space<vmem>>)
      %add3A_122 = arith.addi %mul3A_2, %add3A_65 : i32
      %dma_start3A_123 = arith.constant 1 : i32
      %dma_start3A_124 = arith.constant 1 : i32
      %dma_start3A_125 = arith.constant 0 : i32
      %dma_start3A_126 = arith.constant 0 : i32
      %dma_start3A_127 = tpu.memref_slice %arg6[%dma_start3A_123, %dma_start3A_125, %dma_start3A_126] : memref<2x56x1024xf32, #tpu.memory_space<vmem>> -> memref<1x56x1024xf32, #tpu.memory_space<vmem>>
      %dma_start3A_128 = tpu.memref_squeeze %dma_start3A_127 : memref<1x56x1024xf32, #tpu.memory_space<vmem>> -> memref<56x1024xf32, #tpu.memory_space<vmem>>
      %dma_start3A_129 = arith.constant 0 : i32
      %dma_start3A_130 = arith.constant 0 : i32
      %dma_start3A_131 = tpu.memref_slice %arg4[%add3A_122, %dma_start3A_129, %dma_start3A_130] : memref<1024x56x1024xf32, #tpu.memory_space<hbm>> -> memref<1x56x1024xf32, #tpu.memory_space<hbm>>
      %dma_start3A_132 = tpu.memref_squeeze %dma_start3A_131 : memref<1x56x1024xf32, #tpu.memory_space<hbm>> -> memref<56x1024xf32, #tpu.memory_space<hbm>>
      %dma_start3A_133 = tpu.memref_slice %arg8[%dma_start3A_124] : memref<2x!tpu.dma_semaphore, #tpu.memory_space<semaphore_mem>> -> memref<1x!tpu.dma_semaphore, #tpu.memory_space<semaphore_mem>>
      %dma_start3A_134 = tpu.memref_squeeze %dma_start3A_133 : memref<1x!tpu.dma_semaphore, #tpu.memory_space<semaphore_mem>> -> memref<!tpu.dma_semaphore, #tpu.memory_space<semaphore_mem>>
      %dma_start3A_135 = arith.constant 0 : i32
      %dma_start3A_136 = arith.constant 0 : i32
      %dma_start3A_137 = tpu.memref_slice %arg4[%add3A_122, %dma_start3A_135, %dma_start3A_136] : memref<1024x56x1024xf32, #tpu.memory_space<hbm>> -> memref<1x56x1024xf32, #tpu.memory_space<hbm>>
      %dma_start3A_138 = tpu.memref_squeeze %dma_start3A_137 : memref<1x56x1024xf32, #tpu.memory_space<hbm>> -> memref<56x1024xf32, #tpu.memory_space<hbm>>
      %dma_start3A_139 = arith.constant 0 : i32
      %dma_start3A_140 = arith.constant 0 : i32
      %dma_start3A_141 = tpu.memref_slice %arg6[%dma_start3A_123, %dma_start3A_139, %dma_start3A_140] : memref<2x56x1024xf32, #tpu.memory_space<vmem>> -> memref<1x56x1024xf32, #tpu.memory_space<vmem>>
      %dma_start3A_142 = tpu.memref_squeeze %dma_start3A_141 : memref<1x56x1024xf32, #tpu.memory_space<vmem>> -> memref<56x1024xf32, #tpu.memory_space<vmem>>
      tpu.enqueue_dma source(%dma_start3A_142 : memref<56x1024xf32, #tpu.memory_space<vmem>>) target(%dma_start3A_138 : memref<56x1024xf32, #tpu.memory_space<hbm>>) target_semaphore(%dma_start3A_134 : memref<!tpu.dma_semaphore, #tpu.memory_space<semaphore_mem>>)
      %add3A_143 = arith.addi %mul3A_2, %mul3A_63 : i32
      %dma_wait3A_144 = arith.constant 0 : i32
      %dma_wait3A_145 = arith.constant 0 : i32
      %dma_wait3A_146 = arith.constant 0 : i32
      %dma_wait3A_147 = arith.constant 0 : i32
      %dma_wait3A_148 = tpu.memref_slice %arg6[%dma_wait3A_144, %dma_wait3A_146, %dma_wait3A_147] : memref<2x56x1024xf32, #tpu.memory_space<vmem>> -> memref<1x56x1024xf32, #tpu.memory_space<vmem>>
      %dma_wait3A_149 = tpu.memref_squeeze %dma_wait3A_148 : memref<1x56x1024xf32, #tpu.memory_space<vmem>> -> memref<56x1024xf32, #tpu.memory_space<vmem>>
      %dma_wait3A_150 = arith.constant 0 : i32
      %dma_wait3A_151 = arith.constant 0 : i32
      %dma_wait3A_152 = tpu.memref_slice %arg4[%add3A_143, %dma_wait3A_150, %dma_wait3A_151] : memref<1024x56x1024xf32, #tpu.memory_space<hbm>> -> memref<1x56x1024xf32, #tpu.memory_space<hbm>>
      %dma_wait3A_153 = tpu.memref_squeeze %dma_wait3A_152 : memref<1x56x1024xf32, #tpu.memory_space<hbm>> -> memref<56x1024xf32, #tpu.memory_space<hbm>>
      %dma_wait3A_154 = tpu.memref_slice %arg8[%dma_wait3A_145] : memref<2x!tpu.dma_semaphore, #tpu.memory_space<semaphore_mem>> -> memref<1x!tpu.dma_semaphore, #tpu.memory_space<semaphore_mem>>
      %dma_wait3A_155 = tpu.memref_squeeze %dma_wait3A_154 : memref<1x!tpu.dma_semaphore, #tpu.memory_space<semaphore_mem>> -> memref<!tpu.dma_semaphore, #tpu.memory_space<semaphore_mem>>
      %dma_wait3A_156 = arith.constant 0 : i32
      %dma_wait3A_157 = arith.constant 0 : i32
      %dma_wait3A_158 = tpu.memref_slice %arg4[%add3A_143, %dma_wait3A_156, %dma_wait3A_157] : memref<1024x56x1024xf32, #tpu.memory_space<hbm>> -> memref<1x56x1024xf32, #tpu.memory_space<hbm>>
      %dma_wait3A_159 = tpu.memref_squeeze %dma_wait3A_158 : memref<1x56x1024xf32, #tpu.memory_space<hbm>> -> memref<56x1024xf32, #tpu.memory_space<hbm>>
      %dma_wait3A_160 = arith.constant 0 : i32
      %dma_wait3A_161 = arith.constant 0 : i32
      %dma_wait3A_162 = tpu.memref_slice %arg6[%dma_wait3A_144, %dma_wait3A_160, %dma_wait3A_161] : memref<2x56x1024xf32, #tpu.memory_space<vmem>> -> memref<1x56x1024xf32, #tpu.memory_space<vmem>>
      %dma_wait3A_163 = tpu.memref_squeeze %dma_wait3A_162 : memref<1x56x1024xf32, #tpu.memory_space<vmem>> -> memref<56x1024xf32, #tpu.memory_space<vmem>>
      tpu.wait_dma2 semaphore(%dma_wait3A_155 : memref<!tpu.dma_semaphore, #tpu.memory_space<semaphore_mem>>) src(%dma_wait3A_163 : memref<56x1024xf32, #tpu.memory_space<vmem>>) dst(%dma_wait3A_159 : memref<56x1024xf32, #tpu.memory_space<hbm>>)
      %mul3A_164 = arith.constant 56 : i32
      %mul3A_165 = arith.muli %min3A_68, %mul3A_164 : i32
      %dma_start3A_166 = arith.constant 0 : i32
      %dma_start3A_167 = arith.constant 0 : i32
      %dma_start3A_168 = arith.constant 0 : i32
      %dma_start3A_169 = arith.constant 0 : i32
      %dma_start3A_170 = tpu.memref_slice %arg6[%dma_start3A_166, %dma_start3A_168, %dma_start3A_169] : memref<2x56x1024xf32, #tpu.memory_space<vmem>> -> memref<1x56x1024xf32, #tpu.memory_space<vmem>>
      %dma_start3A_171 = tpu.memref_squeeze %dma_start3A_170 : memref<1x56x1024xf32, #tpu.memory_space<vmem>> -> memref<56x1024xf32, #tpu.memory_space<vmem>>
      %dma_start3A_172 = tpu.memref_slice %arg5[%mul3A_165] : memref<1792xi32, #tpu.memory_space<vmem>> -> memref<56xi32, #tpu.memory_space<vmem>>
      %dma_start3A_173 = arith.constant 0 : i32
      %dma_start3A_174 = arith.constant 0 : i32
      %dma_start3A_175 = tpu.memref_slice %arg2[%dma_start3A_173, %dma_start3A_174] : memref<1000x1024xf32, #tpu.memory_space<hbm>> -> memref<1000x1024xf32, #tpu.memory_space<hbm>>
      %dma_start3A_176 = tpu.memref_slice %arg7[%dma_start3A_167] : memref<2x!tpu.dma_semaphore, #tpu.memory_space<semaphore_mem>> -> memref<1x!tpu.dma_semaphore, #tpu.memory_space<semaphore_mem>>
      %dma_start3A_177 = tpu.memref_squeeze %dma_start3A_176 : memref<1x!tpu.dma_semaphore, #tpu.memory_space<semaphore_mem>> -> memref<!tpu.dma_semaphore, #tpu.memory_space<semaphore_mem>>
      tpu.enqueue_indirect_dma source(%dma_start3A_175 : memref<1000x1024xf32, #tpu.memory_space<hbm>>) target(%dma_start3A_171 : memref<56x1024xf32, #tpu.memory_space<vmem>>) offsets(%dma_start3A_172 : memref<56xi32, #tpu.memory_space<vmem>>) semaphore(%dma_start3A_177 : memref<!tpu.dma_semaphore, #tpu.memory_space<semaphore_mem>>)
      %add3A_178 = arith.addi %mul3A_2, %add3A_65 : i32
      %dma_wait3A_179 = arith.constant 1 : i32
      %dma_wait3A_180 = arith.constant 1 : i32
      %dma_wait3A_181 = arith.constant 0 : i32
      %dma_wait3A_182 = arith.constant 0 : i32
      %dma_wait3A_183 = tpu.memref_slice %arg6[%dma_wait3A_179, %dma_wait3A_181, %dma_wait3A_182] : memref<2x56x1024xf32, #tpu.memory_space<vmem>> -> memref<1x56x1024xf32, #tpu.memory_space<vmem>>
      %dma_wait3A_184 = tpu.memref_squeeze %dma_wait3A_183 : memref<1x56x1024xf32, #tpu.memory_space<vmem>> -> memref<56x1024xf32, #tpu.memory_space<vmem>>
      %dma_wait3A_185 = arith.constant 0 : i32
      %dma_wait3A_186 = arith.constant 0 : i32
      %dma_wait3A_187 = tpu.memref_slice %arg4[%add3A_178, %dma_wait3A_185, %dma_wait3A_186] : memref<1024x56x1024xf32, #tpu.memory_space<hbm>> -> memref<1x56x1024xf32, #tpu.memory_space<hbm>>
      %dma_wait3A_188 = tpu.memref_squeeze %dma_wait3A_187 : memref<1x56x1024xf32, #tpu.memory_space<hbm>> -> memref<56x1024xf32, #tpu.memory_space<hbm>>
      %dma_wait3A_189 = tpu.memref_slice %arg8[%dma_wait3A_180] : memref<2x!tpu.dma_semaphore, #tpu.memory_space<semaphore_mem>> -> memref<1x!tpu.dma_semaphore, #tpu.memory_space<semaphore_mem>>
      %dma_wait3A_190 = tpu.memref_squeeze %dma_wait3A_189 : memref<1x!tpu.dma_semaphore, #tpu.memory_space<semaphore_mem>> -> memref<!tpu.dma_semaphore, #tpu.memory_space<semaphore_mem>>
      %dma_wait3A_191 = arith.constant 0 : i32
      %dma_wait3A_192 = arith.constant 0 : i32
      %dma_wait3A_193 = tpu.memref_slice %arg4[%add3A_178, %dma_wait3A_191, %dma_wait3A_192] : memref<1024x56x1024xf32, #tpu.memory_space<hbm>> -> memref<1x56x1024xf32, #tpu.memory_space<hbm>>
      %dma_wait3A_194 = tpu.memref_squeeze %dma_wait3A_193 : memref<1x56x1024xf32, #tpu.memory_space<hbm>> -> memref<56x1024xf32, #tpu.memory_space<hbm>>
      %dma_wait3A_195 = arith.constant 0 : i32
      %dma_wait3A_196 = arith.constant 0 : i32
      %dma_wait3A_197 = tpu.memref_slice %arg6[%dma_wait3A_179, %dma_wait3A_195, %dma_wait3A_196] : memref<2x56x1024xf32, #tpu.memory_space<vmem>> -> memref<1x56x1024xf32, #tpu.memory_space<vmem>>
      %dma_wait3A_198 = tpu.memref_squeeze %dma_wait3A_197 : memref<1x56x1024xf32, #tpu.memory_space<vmem>> -> memref<56x1024xf32, #tpu.memory_space<vmem>>
      tpu.wait_dma2 semaphore(%dma_wait3A_190 : memref<!tpu.dma_semaphore, #tpu.memory_space<semaphore_mem>>) src(%dma_wait3A_198 : memref<56x1024xf32, #tpu.memory_space<vmem>>) dst(%dma_wait3A_194 : memref<56x1024xf32, #tpu.memory_space<hbm>>)
      %mul3A_199 = arith.constant 56 : i32
      %mul3A_200 = arith.muli %min3A_72, %mul3A_199 : i32
      %dma_start3A_201 = arith.constant 1 : i32
      %dma_start3A_202 = arith.constant 1 : i32
      %dma_start3A_203 = arith.constant 0 : i32
      %dma_start3A_204 = arith.constant 0 : i32
      %dma_start3A_205 = tpu.memref_slice %arg6[%dma_start3A_201, %dma_start3A_203, %dma_start3A_204] : memref<2x56x1024xf32, #tpu.memory_space<vmem>> -> memref<1x56x1024xf32, #tpu.memory_space<vmem>>
      %dma_start3A_206 = tpu.memref_squeeze %dma_start3A_205 : memref<1x56x1024xf32, #tpu.memory_space<vmem>> -> memref<56x1024xf32, #tpu.memory_space<vmem>>
      %dma_start3A_207 = tpu.memref_slice %arg5[%mul3A_200] : memref<1792xi32, #tpu.memory_space<vmem>> -> memref<56xi32, #tpu.memory_space<vmem>>
      %dma_start3A_208 = arith.constant 0 : i32
      %dma_start3A_209 = arith.constant 0 : i32
      %dma_start3A_210 = tpu.memref_slice %arg2[%dma_start3A_208, %dma_start3A_209] : memref<1000x1024xf32, #tpu.memory_space<hbm>> -> memref<1000x1024xf32, #tpu.memory_space<hbm>>
      %dma_start3A_211 = tpu.memref_slice %arg7[%dma_start3A_202] : memref<2x!tpu.dma_semaphore, #tpu.memory_space<semaphore_mem>> -> memref<1x!tpu.dma_semaphore, #tpu.memory_space<semaphore_mem>>
      %dma_start3A_212 = tpu.memref_squeeze %dma_start3A_211 : memref<1x!tpu.dma_semaphore, #tpu.memory_space<semaphore_mem>> -> memref<!tpu.dma_semaphore, #tpu.memory_space<semaphore_mem>>
      tpu.enqueue_indirect_dma source(%dma_start3A_210 : memref<1000x1024xf32, #tpu.memory_space<hbm>>) target(%dma_start3A_206 : memref<56x1024xf32, #tpu.memory_space<vmem>>) offsets(%dma_start3A_207 : memref<56xi32, #tpu.memory_space<vmem>>) semaphore(%dma_start3A_212 : memref<!tpu.dma_semaphore, #tpu.memory_space<semaphore_mem>>)
    }
    %scan3A_31 = arith.constant 16 : i32
    %dma_wait3A = arith.constant 0 : i32
    %dma_wait3A_32 = arith.constant 0 : i32
    %dma_wait3A_33 = arith.constant 0 : i32
    %dma_wait3A_34 = arith.constant 0 : i32
    %dma_wait3A_35 = tpu.memref_slice %arg6[%dma_wait3A, %dma_wait3A_33, %dma_wait3A_34] : memref<2x56x1024xf32, #tpu.memory_space<vmem>> -> memref<1x56x1024xf32, #tpu.memory_space<vmem>>
    %dma_wait3A_36 = tpu.memref_squeeze %dma_wait3A_35 : memref<1x56x1024xf32, #tpu.memory_space<vmem>> -> memref<56x1024xf32, #tpu.memory_space<vmem>>
    %dma_wait3A_37 = arith.constant 1736 : i32
    %dma_wait3A_38 = tpu.memref_slice %arg5[%dma_wait3A_37] : memref<1792xi32, #tpu.memory_space<vmem>> -> memref<56xi32, #tpu.memory_space<vmem>>
    %dma_wait3A_39 = arith.constant 0 : i32
    %dma_wait3A_40 = arith.constant 0 : i32
    %dma_wait3A_41 = tpu.memref_slice %arg2[%dma_wait3A_39, %dma_wait3A_40] : memref<1000x1024xf32, #tpu.memory_space<hbm>> -> memref<1000x1024xf32, #tpu.memory_space<hbm>>
    %dma_wait3A_42 = tpu.memref_slice %arg7[%dma_wait3A_32] : memref<2x!tpu.dma_semaphore, #tpu.memory_space<semaphore_mem>> -> memref<1x!tpu.dma_semaphore, #tpu.memory_space<semaphore_mem>>
    %dma_wait3A_43 = tpu.memref_squeeze %dma_wait3A_42 : memref<1x!tpu.dma_semaphore, #tpu.memory_space<semaphore_mem>> -> memref<!tpu.dma_semaphore, #tpu.memory_space<semaphore_mem>>
    tpu.wait_indirect_dma semaphore(%dma_wait3A_43 : memref<!tpu.dma_semaphore, #tpu.memory_space<semaphore_mem>>) src(%dma_wait3A_41 : memref<1000x1024xf32, #tpu.memory_space<hbm>>) dst(%dma_wait3A_36 : memref<56x1024xf32, #tpu.memory_space<vmem>>)
    %dma_wait3A_44 = arith.constant 1 : i32
    %dma_wait3A_45 = arith.constant 1 : i32
    %dma_wait3A_46 = arith.constant 0 : i32
    %dma_wait3A_47 = arith.constant 0 : i32
    %dma_wait3A_48 = tpu.memref_slice %arg6[%dma_wait3A_44, %dma_wait3A_46, %dma_wait3A_47] : memref<2x56x1024xf32, #tpu.memory_space<vmem>> -> memref<1x56x1024xf32, #tpu.memory_space<vmem>>
    %dma_wait3A_49 = tpu.memref_squeeze %dma_wait3A_48 : memref<1x56x1024xf32, #tpu.memory_space<vmem>> -> memref<56x1024xf32, #tpu.memory_space<vmem>>
    %dma_wait3A_50 = arith.constant 1736 : i32
    %dma_wait3A_51 = tpu.memref_slice %arg5[%dma_wait3A_50] : memref<1792xi32, #tpu.memory_space<vmem>> -> memref<56xi32, #tpu.memory_space<vmem>>
    %dma_wait3A_52 = arith.constant 0 : i32
    %dma_wait3A_53 = arith.constant 0 : i32
    %dma_wait3A_54 = tpu.memref_slice %arg2[%dma_wait3A_52, %dma_wait3A_53] : memref<1000x1024xf32, #tpu.memory_space<hbm>> -> memref<1000x1024xf32, #tpu.memory_space<hbm>>
    %dma_wait3A_55 = tpu.memref_slice %arg7[%dma_wait3A_45] : memref<2x!tpu.dma_semaphore, #tpu.memory_space<semaphore_mem>> -> memref<1x!tpu.dma_semaphore, #tpu.memory_space<semaphore_mem>>
    %dma_wait3A_56 = tpu.memref_squeeze %dma_wait3A_55 : memref<1x!tpu.dma_semaphore, #tpu.memory_space<semaphore_mem>> -> memref<!tpu.dma_semaphore, #tpu.memory_space<semaphore_mem>>
    tpu.wait_indirect_dma semaphore(%dma_wait3A_56 : memref<!tpu.dma_semaphore, #tpu.memory_space<semaphore_mem>>) src(%dma_wait3A_54 : memref<1000x1024xf32, #tpu.memory_space<hbm>>) dst(%dma_wait3A_49 : memref<56x1024xf32, #tpu.memory_space<vmem>>)
    return
  }
}

</mosaic_0001>

<sc_bundles>
// kernel: _gather_rows.3.cloned.1.call-start
scs
__scs_entry_jumppad:
0x0: {  	(pc) =	sbr.rel $0x88, $3  }
0x1: {  	(tag) =	ssettag $0x0;
	lr =	simm.s32 $0x1  }
0x2: {  	[smem:$0x3F9F] =	sst lr;
	_ =	strace $0xD0000000  }
0x3: {  	_ = 	snop  }
0x4: {  	_ = 	snop  }
0x5: {  	_ = 	snop  }
0x6: {  	_ = 	snop  }
0x7: {  	_ = 	snop  }
__scs_overlays_trampoline_lowered:
0x8: {  	[smem:$0x3FAE] =	sst s0  }
0x9: {  	[smem:$0x3FAF] =	sst s1  }
0xa: {  	[smem:$0x3FB0] =	sst s2  }
0xb: {  	[smem:$0x3FB1] =	sst s3  }
0xc: {  	[smem:$0x3FB2] =	sst s4  }
0xd: {  	[smem:$0x3FB3] =	sst s5  }
0xe: {  	[smem:$0x3FB4] =	sst s6  }
0xf: {  	[smem:$0x3FB5] =	sst s7  }
0x10: {  	[smem:$0x3FB6] =	sst s8  }
0x11: {  	[smem:$0x3FB7] =	sst s9;
	s0 =	simm.s32 @!p0 $0x0  }
0x12: {  	s1 =	sld [smem:$0x3F9D];
	s0 =	simm.s32 @p0 $0x1  }
0x13: {  	[smem:$0x3FB8] =	sst s0;
	s0 =	simm.s32 @!p1 $0x0  }
0x14: {  	s2 =	sld [smem:$0x3F9C];
	s0 =	simm.s32 @p1 $0x1  }
0x15: {  	[smem:$0x3FB9] =	sst s0;
	s0 =	simm.s32 @!p2 $0x0  }
0x16: {  	s3 =	sld [smem:$0x3FDB];
	s0 =	simm.s32 @p2 $0x1  }
0x17: {  	s4 =	simm.s32 $0x1BF5;
	[smem:$0x3FBB] =	sst s0  }
0x18: {  	s0 =	sld [smem:$0x3F9E];
	_ =	swait.ge [sflag:s4], $0x0  }
0x19: {  	s7 =	sld [smem:$0x3F9F]  }
0x1a: {  	s8 =	sadd.s32 $0xFFFFE003, lr  }
0x1b: {  	s9 =	sadd.s32 $0xFFFFFEF7, lr;
	s5 =	simm.s32 $0xFFFFFFFF;
	p2 =	slt.u32 s8, $0xFFFFF086  }
0x1c: {  	p1 =	slt.u32 s9, $0xF7A;
	s5 =	simm.s32 @!p2 $0x0  }
0x1d: {  	s5 =	simm.s32 @p1 $0x1;
	p0 =	seq.s32 s7, s2  }
0x1e: {  	s7 =	smul.u32 @!p0 $0xF7A, s2;
	p2 =	seq.s32 @!p0 s5, $0x0  }
0x1f: {  	s9 =	smul.u32 $0xF7A, s1;
	s8 =	simm.s32 @!p0 $0x1BF5;
	p2 =	por !p2, p0  }
0x20: {  	[sflag:s8] =	ssyncset.s32 @!p0 $0xFFFFF086;
	s6 =	sadd.s32 @!p0 s3, s7;
	s7 =	simm.s32 @!p0 $0x108  }
0x21: {  	s3 =	sadd.s32 s3, s9;
	s6 =	sadd.s32 @!p0 $0x88, s6;
	s7 =	simm.s32 @p2 $0x1082  }
0x22: {  	[simem:s7], [sflag:s8] =	dma.local @!p0 [hbm:s6], $0xF7A  }
0x23: {  	s9 =	sor.u32 $0xD0000000, s2;
	s6 =	simm.s32 $0x108;
	_ =	swait.ge @!p0 [sflag:s8], $0x0  }
0x24: {  	s3 =	sadd.s32 $0x88, s3;
	s6 =	simm.s32 @!p1 $0x1082;
	[sflag:s4] =	ssyncset.s32 $0xFFFFF086  }
0x25: {  	[simem:s6], [sflag:s4] =	dma.local [hbm:s3], $0xF7A  }
0x26: {  	[smem:$0x3F9F] =	sst s1;
	(tag) =	ssettag s2;
	_ =	strace s9  }
0x27: {  	s1 =	sld [smem:$0x3FAF]  }
0x28: {  	s2 =	sld [smem:$0x3FB0]  }
0x29: {  	s4 =	sld [smem:$0x3FB2]  }
0x2a: {  	p0 =	seq.s32 s5, $0x0;
	s5 =	sld [smem:$0x3FB3]  }
0x2b: {  	s6 =	sld [smem:$0x3FB4]  }
0x2c: {  	s7 =	sld [smem:$0x3FB5]  }
0x2d: {  	s3 =	simm.s32 $0x108;
	s8 =	sld [smem:$0x3FB6]  }
0x2e: {  	s3 =	simm.s32 @!p0 $0x1082;
	s9 =	sld [smem:$0x3FB7]  }
0x2f: {  	lr =	sadd.s32 s0, s3;
	s0 =	sld [smem:$0x3FAE]  }
0x30: {  	s3 =	sld [smem:$0x3FB1]  }
0x31: {  	[smem:$0x3FBA] =	sst s10  }
0x32: {  	s10 =	sld [smem:$0x3FB8];
	_ =	sdelay $0x3  }
0x33: {  	p0 =	seq.s32 s10, $0x1;
	s10 =	sld [smem:$0x3FBA];
	_ =	sdelay $0x3  }
0x34: {  	[smem:$0x3FBA] =	sst s10  }
0x35: {  	s10 =	sld [smem:$0x3FB9];
	_ =	sdelay $0x3  }
0x36: {  	p1 =	seq.s32 s10, $0x1;
	s10 =	sld [smem:$0x3FBA];
	_ =	sdelay $0x3  }
0x37: {  	[smem:$0x3FBA] =	sst s10  }
0x38: {  	s10 =	sld [smem:$0x3FBB]  }
0x39: {  	_ = 	snop;
	(pc) =	sbr.ind lr, $3  }
0x3a: {  	_ = 	snop  }
0x3b: {  	_ = 	snop  }
0x3c: {  	p2 =	seq.s32 s10, $0x1;
	s10 =	sld [smem:$0x3FBA]  }
0x3d: {  	_ =	shalt  }
0x3e: {  	_ =	shalt  }
0x3f: {  	_ =	shalt  }
0x40: {  	_ =	shalt  }
0x41: {  	_ =	shalt  }
0x42: {  	_ =	shalt  }
0x43: {  	_ =	shalt  }
0x44: {  	_ =	shalt  }
0x45: {  	_ =	shalt  }
0x46: {  	_ =	shalt  }
0x47: {  	_ =	shalt  }
0x48: {  	_ =	shalt  }
0x49: {  	_ =	shalt  }
0x4a: {  	_ =	shalt  }
0x4b: {  	_ =	shalt  }
0x4c: {  	_ =	shalt  }
0x4d: {  	_ =	shalt  }
0x4e: {  	_ =	shalt  }
0x4f: {  	_ =	shalt  }
0x50: {  	_ =	shalt  }
0x51: {  	_ =	shalt  }
0x52: {  	_ =	shalt  }
0x53: {  	_ =	shalt  }
0x54: {  	_ =	shalt  }
0x55: {  	_ =	shalt  }
0x56: {  	_ =	shalt  }
0x57: {  	_ =	shalt  }
0x58: {  	_ =	shalt  }
0x59: {  	_ =	shalt  }
0x5a: {  	_ =	shalt  }
0x5b: {  	_ =	shalt  }
0x5c: {  	_ =	shalt  }
0x5d: {  	_ =	shalt  }
0x5e: {  	_ =	shalt  }
0x5f: {  	_ =	shalt  }
0x60: {  	_ =	shalt  }
0x61: {  	_ =	shalt  }
0x62: {  	_ =	shalt  }
0x63: {  	_ =	shalt  }
0x64: {  	_ =	shalt  }
0x65: {  	_ =	shalt  }
0x66: {  	_ =	shalt  }
0x67: {  	_ =	shalt  }
0x68: {  	_ =	shalt  }
0x69: {  	_ =	shalt  }
0x6a: {  	_ =	shalt  }
0x6b: {  	_ =	shalt  }
0x6c: {  	_ =	shalt  }
0x6d: {  	_ =	shalt  }
0x6e: {  	_ =	shalt  }
0x6f: {  	_ =	shalt  }
0x70: {  	_ =	shalt  }
0x71: {  	_ =	shalt  }
0x72: {  	_ =	shalt  }
0x73: {  	_ =	shalt  }
0x74: {  	_ =	shalt  }
0x75: {  	_ =	shalt  }
0x76: {  	_ =	shalt  }
0x77: {  	_ =	shalt  }
0x78: {  	_ =	shalt  }
0x79: {  	_ =	shalt  }
0x7a: {  	_ =	shalt  }
0x7b: {  	_ =	shalt  }
0x7c: {  	_ =	shalt  }
0x7d: {  	_ =	shalt  }
0x7e: {  	_ =	shalt  }
0x7f: {  	_ =	shalt  }
0x80: {  	_ =	shalt  }
0x81: {  	_ =	shalt  }
0x82: {  	_ =	shalt  }
0x83: {  	_ =	shalt  }
0x84: {  	_ =	shalt  }
0x85: {  	_ =	shalt  }
0x86: {  	_ =	shalt  }
0x87: {  	_ =	shalt  }
.Lfunc_end0:
.L_simem_size_0:
called_computation_lowered:
.L_overlay_start_0:
0x88: {  	s2 =	sld [smem:$0x3FD9]  }
0x89: {  	s3 =	sld [smem:$0x3FFE];
	_ =	sdelay $0x1  }
0x8a: {  	s1 =	srdreg.scid  }
0x8b: {  	s0 =	sand.u32 $0x1, s1  }
0x8c: {  	s18 =	sshll.u32 s0, $0xA;
	s2 =	sadd.s32 s3, s2  }
0x8d: {  	s2 =	sadd.s32 s2, s18  }
0x8e: {  	[smem:$0x3FC6] =	sst s2  }
0x8f: {  	_ = 	snop  }
0x90: {  	s2 =	sld [smem:$0x3FC9]  }
0x91: {  	s19 =	sld [smem:$0x3FC8]  }
0x92: {  	s4 =	sld [smem:$0x3FD0];
	(tm) =	ssettm $0x1  }
0x93: {  	s5 =	sld [smem:$0x3FFB];
	_ =	sdelay $0x3  }
0x94: {  	_ =	strace s5  }
0x95: {  	s5 =	sld [smem:$0x3FFC];
	_ =	sdelay $0x3  }
0x96: {  	_ =	strace s5  }
0x97: {  	s5 =	sld [smem:$0x3FFD];
	_ =	sdelay $0x3  }
0x98: {  	_ =	strace s5  }
0x99: {  	_ =	strace $0x8FFFFFFF  }
0x9a: {  	s20 =	sld [smem:$0x3FDB];
	_ =	sdelay $0x1  }
0x9b: {  	s6 =	simm.s32 $_scs_section_size  }
0x9c: {  	s7 =	simm.s32 $_size__tile_overlayer_lowered;
	s8 =	simm.s32 $_tile_overlayer_lowered  }
0x9d: {  	s23 =	simm.s32 $0x1BFF;
	s22 =	sshll.u32 s8, $0x1;
	s5 =	sadd.s32 s6, s20  }
0x9e: {  	s9 =	simm.s32 $0x0;
	s21 =	sshll.u32 s7, $0x1;
	s7 =	sadd.s32 s22, s5  }
0x9f: {  	[timem:s9], [sflag:s23] =	dma.local [hbm:s7], s21  }
0xa0: {  	_ =	swait.ge [sflag:s23], s21  }
0xa1: {  	s6 =	ssub.s32 $0x0, s21;
	[sflag:s23] =	ssyncset.done $0x0  }
0xa2: {  	[sflag:s23] =	ssyncadd.s32 s6;
	_ =	sdelay $0x1  }
0xa3: {  	s24 =	simm.s32 $0x1B8B  }
0xa4: {  	_ =	swait.ge [sflag:s24], $0x1  }
0xa5: {  	[sflag:s24] =	ssyncset.done $0x0  }
0xa6: {  	s25 =	simm.s32 $0x1B8E;
	[sflag:s24] =	ssyncadd.s32 $0xFFFFFFFF  }
0xa7: {  	s26 =	simm.s32 $execute0_lowered;
	[smem:$0x3FD2] =	sst s25  }
0xa8: {  	s6 =	sshll.u32 s26, $0x1;
	_ =	strace $0x80000046;
	[dreg:$0x1] =	wrdreg $0xFFFFFFFF  }
0xa9: {  	s28 =	simm.s32 $_size_execute0_lowered;
	s5 =	sadd.s32 s5, s6;
	[dreg:$0x0] =	wrdreg $0x0  }
0xaa: {  	s6 =	sshll.u32 s28, $0x1;
	[dreg:$0x2] =	wrdreg s5  }
0xab: {  	[dreg:$0x3] =	wrdreg s6  }
0xac: {  	[dreg:$0x4] =	wrdreg $0xC0  }
0xad: {  	_ =	task [dreg:s9], $0x5FFFF  }
0xae: {  	[dreg:$0x1] =	wrdreg $0xFFFFFFFF  }
0xaf: {  	[dreg:$0x0] =	wrdreg $0x60  }
0xb0: {  	[dreg:$0x2] =	wrdreg s2  }
0xb1: {  	[dreg:$0x3] =	wrdreg s19  }
0xb2: {  	[dreg:$0x4] =	wrdreg s4  }
0xb3: {  	[dreg:$0x5] =	wrdreg $0x9  }
0xb4: {  	_ =	task.clear_ibuf [dreg:s9], $0x6FFFF;
	_ =	strace $0x90000046  }
0xb5: {  	s29 =	simm.s32 $0x9;
	_ =	strace $0x80000048  }
0xb6: {  	_ =	swait.ge [sflag:s29], $0x1  }
0xb7: {  	[sflag:s29] =	ssyncadd.s32 $0xFFFFFFFF  }
0xb8: {  	_ =	strace $0x90000048  }
0xb9: {  	_ =	sfence  }
0xba: {  	s30 =	sld [smem:$0x0];
	_ =	sdelay $0x2  }
0xbb: {  	s31 =	sshll.u32 s1, $0xD;
	s1 =	sshrl.u32 s1, $0x2  }
0xbc: {  	s3 =	sand.u32 $0x4000, s31;
	s1 =	sadd.s32 s1, s30  }
0xbd: {  	s0 =	sor.u32 s3, s0;
	s1 =	sshll.u32 s1, $0x11  }
0xbe: {  	s0 =	sor.u32 s1, s0  }
0xbf: {  	s0 =	sadd.s32 $0x8F2B, s0  }
0xc0: {  	[sflag:s0] =	ssyncadd.remote.s32 $0x1  }
0xc1: {  	_ =	sfence.sel $0xFFFF  }
0xc2: {  	[dreg:$0x0] =	wrdreg $0xFFFFFFFF;
	(pc) =	sbr.abs _section_cstart, $3  }
0xc3: {  	[dreg:$0x1] =	wrdreg $0xFFFFFFFF  }
0xc4: {  	_ =	task.clear_ibuf [dreg:s9], $0x2FFFF;
	_ =	strace $0x9FFFFFFF  }
0xc5: {  	(tm) =	ssettm $0x7FFFFFFF  }
tec
execute0_lowered:
.L_overlay_start_1:
0x0: {  	(tag) =	ssettag $0x1  }
0x1: {  	s1 =	rddreg [dreg:$0x0]  }
0x2: {  	s0 =	rddreg [dreg:$0x1]  }
0x3: {  	s2 =	rddreg [dreg:$0x2]  }
0x4: {  	s3 =	srdreg.scid;
	s9 =	stileid.u32;
	s13 =	simm.s32 $0x700  }
0x5: {  	s16 =	simm.s32 $0xE700;
	s20 =	simm.s32 $0x1;
	s21 =	simm.s32 $0x2  }
0x6: {  	s22 =	simm.s32 $0x3;
	s23 =	simm.s32 $0x4;
	s10 =	simm.s32 $0x15700  }
0x7: {  	s11 =	simm.s32 $0x15F00;
	s12 =	simm.s32 $0x17F00;
	s14 =	simm.s32 $0x18700  }
0x8: {  	s15 =	simm.s32 $0x18F00;
	s17 =	simm.s32 $0x19700;
	s18 =	simm.s32 $0x19F00  }
0x9: {  	s19 =	simm.s32 $0x1A700;
	s28 =	simm.s32 $0x1AF00;
	s29 =	simm.s32 $0x1B700  }
0xa: {  	s30 =	simm.s32 $0x1BF00;
	s4 =	sand.u32 $0x1, s3;
	s5 =	sshrl.u32 s9, $0x2  }
0xb: {  	s6 =	sshll.u32 s9, $0x8;
	s3 =	simm.s32 $0x0;
	s9 =	smul.u32 $0x70000, s9  }
0xc: {  	s7 =	sshll.u32 s4, $0x7;
	s5 =	smul.u32 $0x3800, s5;
	[smem:$0x7FF] =	sst s3  }
0xd: {  	s25 =	ssub.s32 $0x2, s4;
	s26 =	smul.u32 $0x38000, s4;
	s4 =	simm.s32 $0x16700  }
0xe: {  	s6 =	sor.u32 s7, s6;
	_ =	strace $0x80000047;
	s8 =	sshrl.u32 s25, $0x1  }
0xf: {  	s7 =	sadd.s32 $0x300, s1;
	s2 =	sadd.s32 s9, s2;
	s6 =	sand.u32 $0x380, s6  }
0x10: {  	s9 =	simm.s32 $0x17700;
	s8 =	ssub.s32 s25, s8;
	s5 =	sor.u32 s5, s6  }
0x11: {  	s6 =	sadd.s32 $0x200, s1;
	s31 =	smax.u32 s8, $0x1;
	s5 =	sshrl.u32 s5, $0x3  }
0x12: {  	v2 =	vlaneseq.u32;
	s8 =	simm.s32 $0x16F00;
	[dreg:$0x5] =	wrdreg s31;
	s0 =	sadd.s32 s0, s5  }
0x13: {  	vm0 =	vmmov $0xffff;
	v1 =	vshrl.u32 v2, $0x3;
	s5 =	sadd.s32 $0x100, s1;
	[dreg:$0x4] =	wrdreg s0;
	s0 =	sadd.s32 s26, s2  }
0x14: {  	v0 =	vand.u32 $0x7, v2;
	v2 =	vor.u32 $0x8, v2;
	v1 =	vmul.u32 $0x8, v1;
	s2 =	simm.s32 $0x14F00;
	[dreg:$0x6] =	wrdreg s0;
	s0 =	simm.s32 $0x0  }
.LBB2_1:
0x15: {  	s24 =	rddreg [dreg:$0x4];
	s25 =	simm.s32 $0x80;
	s26 =	simm.s32 $0x400  }
0x16: {  	[tilespmem:s3], [sflag:$0x5] =	stream.strided.gather [hbm4b:s24+s25], $0x700, s26, s25, $0x38;
	[tilespmem:$0x1C700] =	vst v63  }
0x17: {  	[dreg:$0x7] =	wrdreg s0;
	s25 =	simm.s32 $0x5  }
0x18: {  	_ =	swait.ge [sflag:s25], $0x700  }
0x19: {  	[sflag:s25] =	ssyncset.done $0x0  }
0x1a: {  	[sflag:s25] =	ssyncadd.s32 $0xFFFFF900  }
0x1b: {  	v3 =	vld [tilespmem:$0x0];
	_ =	sdelay $0x4  }
0x1c: {  	v4 =	vshll.u32 v3, $0x3  }
0x1d: {  	v3 =	vand.u32 $0x7, v3;
	v4 =	vand.u32 $0xFFFFFFC0, v4  }
0x1e: {  	v3 =	vor.u32 v3, v4  }
0x1f: {  	v4 =	vperm.xlane v3, v0;
	_ =	sdelay $0x1  }
0x20: {  	v4 =	vadd.s32 v1, v4;
	_ =	sdelay $0x4  }
0x21: {  	[tilespmem:s13], [sflag:$0x1] =	stream.indirect_vreg.gather [hbm4b:s1+s3], $0x80, v4, vm0, $0xb8;
	[tilespmem:$0x1C700] =	vst v63  }
0x22: {  	s26 =	simm.s32 $0xF00;
	v3 =	vperm.xlane v3, v2  }
0x23: {  	[tilespmem:s26], [sflag:$0x1] =	stream.indirect_vreg.gather [hbm4b:s5+s3], $0x80, v4, vm0, $0xb8;
	[tilespmem:$0x1C700] =	vst v63  }
0x24: {  	s31 =	simm.s32 $0x1700;
	v3 =	vadd.s32 v1, v3  }
0x25: {  	[tilespmem:s31], [sflag:$0x1] =	stream.indirect_vreg.gather [hbm4b:s6+s3], $0x80, v4, vm0, $0xb8;
	[tilespmem:$0x1C700] =	vst v63  }
0x26: {  	s24 =	simm.s32 $0x1F00  }
0x27: {  	[tilespmem:s24], [sflag:$0x1] =	stream.indirect_vreg.gather [hbm4b:s7+s3], $0x80, v4, vm0, $0xb8;
	[tilespmem:$0x1C700] =	vst v63  }
0x28: {  	s25 =	simm.s32 $0x2700  }
0x29: {  	[tilespmem:s25], [sflag:$0x1] =	stream.indirect_vreg.gather [hbm4b:s1+s3], $0x80, v3, vm0, $0xb8;
	[tilespmem:$0x1C700] =	vst v63  }
0x2a: {  	s26 =	simm.s32 $0x2F00  }
0x2b: {  	[tilespmem:s26], [sflag:$0x1] =	stream.indirect_vreg.gather [hbm4b:s5+s3], $0x80, v3, vm0, $0xb8;
	[tilespmem:$0x1C700] =	vst v63  }
0x2c: {  	s31 =	simm.s32 $0x3700  }
0x2d: {  	[tilespmem:s31], [sflag:$0x1] =	stream.indirect_vreg.gather [hbm4b:s6+s3], $0x80, v3, vm0, $0xb8;
	[tilespmem:$0x1C700] =	vst v63  }
0x2e: {  	s24 =	simm.s32 $0x3F00  }
0x2f: {  	[tilespmem:s24], [sflag:$0x1] =	stream.indirect_vreg.gather [hbm4b:s7+s3], $0x80, v3, vm0, $0xb8;
	[tilespmem:$0x1C700] =	vst v63  }
0x30: {  	v3 =	vld [tilespmem:$0x10];
	_ =	sdelay $0x4  }
0x31: {  	v57 =	vshll.u32 v3, $0x3  }
0x32: {  	v3 =	vand.u32 $0x7, v3;
	v4 =	vand.u32 $0xFFFFFFC0, v57  }
0x33: {  	v3 =	vor.u32 v3, v4  }
0x34: {  	v4 =	vperm.xlane v3, v0;
	_ =	sdelay $0x1  }
0x35: {  	v4 =	vadd.s32 v1, v4;
	_ =	sdelay $0x3  }
0x36: {  	s25 =	simm.s32 $0x4700  }
0x37: {  	[tilespmem:s25], [sflag:$0x1] =	stream.indirect_vreg.gather [hbm4b:s1+s3], $0x80, v4, vm0, $0xb8;
	[tilespmem:$0x1C700] =	vst v63  }
0x38: {  	s26 =	simm.s32 $0x4F00;
	v3 =	vperm.xlane v3, v2  }
0x39: {  	[tilespmem:s26], [sflag:$0x1] =	stream.indirect_vreg.gather [hbm4b:s5+s3], $0x80, v4, vm0, $0xb8;
	[tilespmem:$0x1C700] =	vst v63  }
0x3a: {  	s31 =	simm.s32 $0x5700;
	v3 =	vadd.s32 v1, v3  }
0x3b: {  	[tilespmem:s31], [sflag:$0x1] =	stream.indirect_vreg.gather [hbm4b:s6+s3], $0x80, v4, vm0, $0xb8;
	[tilespmem:$0x1C700] =	vst v63  }
0x3c: {  	s24 =	simm.s32 $0x5F00  }
0x3d: {  	[tilespmem:s24], [sflag:$0x1] =	stream.indirect_vreg.gather [hbm4b:s7+s3], $0x80, v4, vm0, $0xb8;
	[tilespmem:$0x1C700] =	vst v63  }
0x3e: {  	s25 =	simm.s32 $0x6700  }
0x3f: {  	[tilespmem:s25], [sflag:$0x1] =	stream.indirect_vreg.gather [hbm4b:s1+s3], $0x80, v3, vm0, $0xb8;
	[tilespmem:$0x1C700] =	vst v63  }
0x40: {  	s26 =	simm.s32 $0x6F00  }
0x41: {  	[tilespmem:s26], [sflag:$0x1] =	stream.indirect_vreg.gather [hbm4b:s5+s3], $0x80, v3, vm0, $0xb8;
	[tilespmem:$0x1C700] =	vst v63  }
0x42: {  	s31 =	simm.s32 $0x7700  }
0x43: {  	[tilespmem:s31], [sflag:$0x1] =	stream.indirect_vreg.gather [hbm4b:s6+s3], $0x80, v3, vm0, $0xb8;
	[tilespmem:$0x1C700] =	vst v63  }
0x44: {  	s24 =	simm.s32 $0x7F00  }
0x45: {  	[tilespmem:s24], [sflag:$0x1] =	stream.indirect_vreg.gather [hbm4b:s7+s3], $0x80, v3, vm0, $0xb8;
	[tilespmem:$0x1C700] =	vst v63  }
0x46: {  	v3 =	vld [tilespmem:$0x20];
	_ =	sdelay $0x4  }
0x47: {  	v58 =	vshll.u32 v3, $0x3  }
0x48: {  	v3 =	vand.u32 $0x7, v3;
	v4 =	vand.u32 $0xFFFFFFC0, v58  }
0x49: {  	v3 =	vor.u32 v3, v4  }
0x4a: {  	v4 =	vperm.xlane v3, v0;
	_ =	sdelay $0x1  }
0x4b: {  	v4 =	vadd.s32 v1, v4;
	_ =	sdelay $0x3  }
0x4c: {  	s25 =	simm.s32 $0x8700  }
0x4d: {  	[tilespmem:s25], [sflag:$0x1] =	stream.indirect_vreg.gather [hbm4b:s1+s3], $0x80, v4, vm0, $0xb8;
	[tilespmem:$0x1C700] =	vst v63  }
0x4e: {  	s26 =	simm.s32 $0x8F00;
	v3 =	vperm.xlane v3, v2  }
0x4f: {  	[tilespmem:s26], [sflag:$0x1] =	stream.indirect_vreg.gather [hbm4b:s5+s3], $0x80, v4, vm0, $0xb8;
	[tilespmem:$0x1C700] =	vst v63  }
0x50: {  	s31 =	simm.s32 $0x9700;
	v3 =	vadd.s32 v1, v3  }
0x51: {  	[tilespmem:s31], [sflag:$0x1] =	stream.indirect_vreg.gather [hbm4b:s6+s3], $0x80, v4, vm0, $0xb8;
	[tilespmem:$0x1C700] =	vst v63  }
0x52: {  	s24 =	simm.s32 $0x9F00  }
0x53: {  	[tilespmem:s24], [sflag:$0x1] =	stream.indirect_vreg.gather [hbm4b:s7+s3], $0x80, v4, vm0, $0xb8;
	[tilespmem:$0x1C700] =	vst v63  }
0x54: {  	s25 =	simm.s32 $0xA700  }
0x55: {  	[tilespmem:s25], [sflag:$0x1] =	stream.indirect_vreg.gather [hbm4b:s1+s3], $0x80, v3, vm0, $0xb8;
	[tilespmem:$0x1C700] =	vst v63  }
0x56: {  	s26 =	simm.s32 $0xAF00  }
0x57: {  	[tilespmem:s26], [sflag:$0x1] =	stream.indirect_vreg.gather [hbm4b:s5+s3], $0x80, v3, vm0, $0xb8;
	[tilespmem:$0x1C700] =	vst v63  }
0x58: {  	s31 =	simm.s32 $0xB700  }
0x59: {  	[tilespmem:s31], [sflag:$0x1] =	stream.indirect_vreg.gather [hbm4b:s6+s3], $0x80, v3, vm0, $0xb8;
	[tilespmem:$0x1C700] =	vst v63  }
0x5a: {  	s24 =	simm.s32 $0xBF00  }
0x5b: {  	[tilespmem:s24], [sflag:$0x1] =	stream.indirect_vreg.gather [hbm4b:s7+s3], $0x80, v3, vm0, $0xb8;
	[tilespmem:$0x1C700] =	vst v63  }
0x5c: {  	v3 =	vld.msk [tilespmem:$0x30], $0xff;
	_ =	sdelay $0x4  }
0x5d: {  	v59 =	vshll.u32 v3, $0x3  }
0x5e: {  	v3 =	vand.u32 $0x7, v3;
	v4 =	vand.u32 $0xFFFFFFC0, v59  }
0x5f: {  	v3 =	vor.u32 v3, v4  }
0x60: {  	v3 =	vperm.xlane v3, v0;
	_ =	sdelay $0x1  }
0x61: {  	v3 =	vadd.s32 v1, v3;
	_ =	sdelay $0x3  }
0x62: {  	s25 =	simm.s32 $0xC700  }
0x63: {  	[tilespmem:s25], [sflag:$0x1] =	stream.indirect_vreg.gather [hbm4b:s1+s3], $0x80, v3, vm0, $0xb8;
	[tilespmem:$0x1C700] =	vst v63  }
0x64: {  	s26 =	simm.s32 $0xCF00  }
0x65: {  	[tilespmem:s26], [sflag:$0x1] =	stream.indirect_vreg.gather [hbm4b:s5+s3], $0x80, v3, vm0, $0xb8;
	[tilespmem:$0x1C700] =	vst v63  }
0x66: {  	s31 =	simm.s32 $0xD700  }
0x67: {  	[tilespmem:s31], [sflag:$0x1] =	stream.indirect_vreg.gather [hbm4b:s6+s3], $0x80, v3, vm0, $0xb8;
	[tilespmem:$0x1C700] =	vst v63  }
0x68: {  	s24 =	simm.s32 $0xDF00  }
0x69: {  	[tilespmem:s24], [sflag:$0x1] =	stream.indirect_vreg.gather [hbm4b:s7+s3], $0x80, v3, vm0, $0xb8;
	[tilespmem:$0x1C700] =	vst v63  }
0x6a: {  	v3 =	vld [tilespmem:$0x38];
	_ =	sdelay $0x4  }
0x6b: {  	v60 =	vshll.u32 v3, $0x3  }
0x6c: {  	v3 =	vand.u32 $0x7, v3;
	v4 =	vand.u32 $0xFFFFFFC0, v60  }
0x6d: {  	v3 =	vor.u32 v3, v4  }
0x6e: {  	v4 =	vperm.xlane v3, v0;
	_ =	sdelay $0x1  }
0x6f: {  	v4 =	vadd.s32 v1, v4;
	_ =	sdelay $0x4  }
0x70: {  	[tilespmem:s16], [sflag:$0x2] =	stream.indirect_vreg.gather [hbm4b:s1+s3], $0x80, v4, vm0, $0xb8;
	[tilespmem:$0x1C700] =	vst v63  }
0x71: {  	s25 =	simm.s32 $0xEF00;
	v3 =	vperm.xlane v3, v2  }
0x72: {  	[tilespmem:s25], [sflag:$0x2] =	stream.indirect_vreg.gather [hbm4b:s5+s3], $0x80, v4, vm0, $0xb8;
	[tilespmem:$0x1C700] =	vst v63  }
0x73: {  	s26 =	simm.s32 $0xF700;
	v3 =	vadd.s32 v1, v3  }
0x74: {  	[tilespmem:s26], [sflag:$0x2] =	stream.indirect_vreg.gather [hbm4b:s6+s3], $0x80, v4, vm0, $0xb8;
	[tilespmem:$0x1C700] =	vst v63  }
0x75: {  	s31 =	simm.s32 $0xFF00  }
0x76: {  	[tilespmem:s31], [sflag:$0x2] =	stream.indirect_vreg.gather [hbm4b:s7+s3], $0x80, v4, vm0, $0xb8;
	[tilespmem:$0x1C700] =	vst v63  }
0x77: {  	s24 =	simm.s32 $0x10700  }
0x78: {  	[tilespmem:s24], [sflag:$0x2] =	stream.indirect_vreg.gather [hbm4b:s1+s3], $0x80, v3, vm0, $0xb8;
	[tilespmem:$0x1C700] =	vst v63  }
0x79: {  	s25 =	simm.s32 $0x10F00  }
0x7a: {  	[tilespmem:s25], [sflag:$0x2] =	stream.indirect_vreg.gather [hbm4b:s5+s3], $0x80, v3, vm0, $0xb8;
	[tilespmem:$0x1C700] =	vst v63  }
0x7b: {  	s26 =	simm.s32 $0x11700  }
0x7c: {  	[tilespmem:s26], [sflag:$0x2] =	stream.indirect_vreg.gather [hbm4b:s6+s3], $0x80, v3, vm0, $0xb8;
	[tilespmem:$0x1C700] =	vst v63  }
0x7d: {  	s31 =	simm.s32 $0x11F00  }
0x7e: {  	[tilespmem:s31], [sflag:$0x2] =	stream.indirect_vreg.gather [hbm4b:s7+s3], $0x80, v3, vm0, $0xb8;
	[tilespmem:$0x1C700] =	vst v63  }
0x7f: {  	v3 =	vld [tilespmem:$0x48];
	_ =	sdelay $0x4  }
0x80: {  	v61 =	vshll.u32 v3, $0x3  }
0x81: {  	v3 =	vand.u32 $0x7, v3;
	v4 =	vand.u32 $0xFFFFFFC0, v61  }
0x82: {  	v3 =	vor.u32 v3, v4  }
0x83: {  	v4 =	vperm.xlane v3, v0;
	_ =	sdelay $0x1  }
0x84: {  	v4 =	vadd.s32 v1, v4;
	_ =	sdelay $0x3  }
0x85: {  	s24 =	simm.s32 $0x12700  }
0x86: {  	[tilespmem:s24], [sflag:$0x2] =	stream.indirect_vreg.gather [hbm4b:s1+s3], $0x80, v4, vm0, $0xb8;
	[tilespmem:$0x1C700] =	vst v63  }
0x87: {  	s25 =	simm.s32 $0x12F00;
	v3 =	vperm.xlane v3, v2  }
0x88: {  	[tilespmem:s25], [sflag:$0x2] =	stream.indirect_vreg.gather [hbm4b:s5+s3], $0x80, v4, vm0, $0xb8;
	[tilespmem:$0x1C700] =	vst v63  }
0x89: {  	s26 =	simm.s32 $0x13700;
	v3 =	vadd.s32 v1, v3  }
0x8a: {  	[tilespmem:s26], [sflag:$0x2] =	stream.indirect_vreg.gather [hbm4b:s6+s3], $0x80, v4, vm0, $0xb8;
	[tilespmem:$0x1C700] =	vst v63  }
0x8b: {  	s31 =	simm.s32 $0x13F00  }
0x8c: {  	[tilespmem:s31], [sflag:$0x2] =	stream.indirect_vreg.gather [hbm4b:s7+s3], $0x80, v4, vm0, $0xb8;
	[tilespmem:$0x1C700] =	vst v63  }
0x8d: {  	s0 =	simm.s32 $0x14700  }
0x8e: {  	[tilespmem:s0], [sflag:$0x2] =	stream.indirect_vreg.gather [hbm4b:s1+s3], $0x80, v3, vm0, $0xb8;
	[tilespmem:$0x1C700] =	vst v63  }
0x8f: {  	_ = 	snop  }
0x90: {  	[tilespmem:s2], [sflag:$0x2] =	stream.indirect_vreg.gather [hbm4b:s5+s3], $0x80, v3, vm0, $0xb8;
	[tilespmem:$0x1C700] =	vst v63  }
0x91: {  	_ = 	snop  }
0x92: {  	[tilespmem:s10], [sflag:$0x2] =	stream.indirect_vreg.gather [hbm4b:s6+s3], $0x80, v3, vm0, $0xb8;
	[tilespmem:$0x1C700] =	vst v63  }
0x93: {  	_ = 	snop  }
0x94: {  	[tilespmem:s11], [sflag:$0x2] =	stream.indirect_vreg.gather [hbm4b:s7+s3], $0x80, v3, vm0, $0xb8;
	[tilespmem:$0x1C700] =	vst v63  }
0x95: {  	v3 =	vld [tilespmem:$0x58];
	_ =	sdelay $0x4  }
0x96: {  	v62 =	vshll.u32 v3, $0x3  }
0x97: {  	v3 =	vand.u32 $0x7, v3;
	v4 =	vand.u32 $0xFFFFFFC0, v62  }
0x98: {  	v3 =	vor.u32 v3, v4  }
0x99: {  	v4 =	vperm.xlane v3, v0;
	_ =	sdelay $0x1  }
0x9a: {  	v4 =	vadd.s32 v1, v4;
	_ =	sdelay $0x4  }
0x9b: {  	[tilespmem:s4], [sflag:$0x2] =	stream.indirect_vreg.gather [hbm4b:s1+s3], $0x80, v4, vm0, $0xb8;
	[tilespmem:$0x1C700] =	vst v63  }
0x9c: {  	v3 =	vperm.xlane v3, v2  }
0x9d: {  	[tilespmem:s8], [sflag:$0x2] =	stream.indirect_vreg.gather [hbm4b:s5+s3], $0x80, v4, vm0, $0xb8;
	[tilespmem:$0x1C700] =	vst v63  }
0x9e: {  	v3 =	vadd.s32 v1, v3  }
0x9f: {  	[tilespmem:s9], [sflag:$0x2] =	stream.indirect_vreg.gather [hbm4b:s6+s3], $0x80, v4, vm0, $0xb8;
	[tilespmem:$0x1C700] =	vst v63  }
0xa0: {  	_ = 	snop  }
0xa1: {  	[tilespmem:s12], [sflag:$0x2] =	stream.indirect_vreg.gather [hbm4b:s7+s3], $0x80, v4, vm0, $0xb8;
	[tilespmem:$0x1C700] =	vst v63  }
0xa2: {  	_ = 	snop  }
0xa3: {  	[tilespmem:s14], [sflag:$0x2] =	stream.indirect_vreg.gather [hbm4b:s1+s3], $0x80, v3, vm0, $0xb8;
	[tilespmem:$0x1C700] =	vst v63  }
0xa4: {  	_ = 	snop  }
0xa5: {  	[tilespmem:s15], [sflag:$0x2] =	stream.indirect_vreg.gather [hbm4b:s5+s3], $0x80, v3, vm0, $0xb8;
	[tilespmem:$0x1C700] =	vst v63  }
0xa6: {  	_ = 	snop  }
0xa7: {  	[tilespmem:s17], [sflag:$0x2] =	stream.indirect_vreg.gather [hbm4b:s6+s3], $0x80, v3, vm0, $0xb8;
	[tilespmem:$0x1C700] =	vst v63  }
0xa8: {  	_ = 	snop  }
0xa9: {  	[tilespmem:s18], [sflag:$0x2] =	stream.indirect_vreg.gather [hbm4b:s7+s3], $0x80, v3, vm0, $0xb8;
	[tilespmem:$0x1C700] =	vst v63  }
0xaa: {  	v3 =	vld.msk [tilespmem:$0x68], $0xff;
	_ =	sdelay $0x4  }
0xab: {  	v63 =	vshll.u32 v3, $0x3  }
0xac: {  	v3 =	vand.u32 $0x7, v3;
	v4 =	vand.u32 $0xFFFFFFC0, v63  }
0xad: {  	v3 =	vor.u32 v3, v4  }
0xae: {  	v3 =	vperm.xlane v3, v0;
	_ =	sdelay $0x1  }
0xaf: {  	v3 =	vadd.s32 v1, v3;
	_ =	sdelay $0x4  }
0xb0: {  	[tilespmem:s19], [sflag:$0x2] =	stream.indirect_vreg.gather [hbm4b:s1+s3], $0x80, v3, vm0, $0xb8;
	[tilespmem:$0x1C700] =	vst v63  }
0xb1: {  	_ = 	snop  }
0xb2: {  	[tilespmem:s28], [sflag:$0x2] =	stream.indirect_vreg.gather [hbm4b:s5+s3], $0x80, v3, vm0, $0xb8;
	[tilespmem:$0x1C700] =	vst v63  }
0xb3: {  	_ = 	snop  }
0xb4: {  	[tilespmem:s29], [sflag:$0x2] =	stream.indirect_vreg.gather [hbm4b:s6+s3], $0x80, v3, vm0, $0xb8;
	[tilespmem:$0x1C700] =	vst v63  }
0xb5: {  	s24 =	rddreg [dreg:$0x6];
	s25 =	simm.s32 $0x0  }
0xb6: {  	[tilespmem:s30], [sflag:$0x2] =	stream.indirect_vreg.gather [hbm4b:s7+s3], $0x80, v3, vm0, $0xb8;
	[tilespmem:$0x1C700] =	vst v63  }
.LBB2_2:
0xb7: {  	_ =	swait.ge [sflag:s20], $0xE000  }
0xb8: {  	[sflag:s20] =	ssyncset.done $0x0  }
0xb9: {  	[sflag:s20] =	ssyncadd.s32 $0xFFFF2000  }
0xba: {  	[hbm4b:s24+s3] =	stream.linear.scatter [tilespmem:s13], [sflag:$0x3], $0xE000, $0x38;
	[tilespmem:$0x1C700] =	vst v63  }
0xbb: {  	_ =	swait.ge [sflag:s21], $0xE000  }
0xbc: {  	[sflag:s21] =	ssyncset.done $0x0  }
0xbd: {  	s26 =	sadd.s32 $0x1C00, s24;
	s31 =	smin.u32 s25, $0x1D;
	[sflag:s21] =	ssyncadd.s32 $0xFFFF2000  }
0xbe: {  	[hbm4b:s26+s3] =	stream.linear.scatter [tilespmem:s16], [sflag:$0x4], $0xE000, $0x38;
	[tilespmem:$0x1C700] =	vst v63  }
0xbf: {  	s26 =	smul.u32 $0xE0, s31;
	_ =	swait.ge [sflag:s22], $0xE000  }
0xc0: {  	[sflag:s22] =	ssyncset.done $0x0  }
0xc1: {  	s26 =	sshrl.u32 s26, $0x2;
	[sflag:s22] =	ssyncadd.s32 $0xFFFF2000  }
0xc2: {  	v3 =	vld [tilespmem:s26+$0x70];
	_ =	sdelay $0x4  }
0xc3: {  	v4 =	vshll.u32 v3, $0x3  }
0xc4: {  	v3 =	vand.u32 $0x7, v3;
	v4 =	vand.u32 $0xFFFFFFC0, v4  }
0xc5: {  	v3 =	vor.u32 v3, v4  }
0xc6: {  	v4 =	vperm.xlane v3, v0;
	_ =	sdelay $0x1  }
0xc7: {  	v4 =	vadd.s32 v1, v4;
	_ =	sdelay $0x4  }
0xc8: {  	[tilespmem:s13], [sflag:$0x1] =	stream.indirect_vreg.gather [hbm4b:s1+s3], $0x80, v4, vm0, $0xb8;
	[tilespmem:$0x1C700] =	vst v63  }
0xc9: {  	s31 =	simm.s32 $0xF00;
	v3 =	vperm.xlane v3, v2  }
0xca: {  	[tilespmem:s31], [sflag:$0x1] =	stream.indirect_vreg.gather [hbm4b:s5+s3], $0x80, v4, vm0, $0xb8;
	[tilespmem:$0x1C700] =	vst v63  }
0xcb: {  	v3 =	vadd.s32 v1, v3;
	s31 =	simm.s32 $0x1700  }
0xcc: {  	[tilespmem:s31], [sflag:$0x1] =	stream.indirect_vreg.gather [hbm4b:s6+s3], $0x80, v4, vm0, $0xb8;
	[tilespmem:$0x1C700] =	vst v63  }
0xcd: {  	s31 =	simm.s32 $0x1F00  }
0xce: {  	[tilespmem:s31], [sflag:$0x1] =	stream.indirect_vreg.gather [hbm4b:s7+s3], $0x80, v4, vm0, $0xb8;
	[tilespmem:$0x1C700] =	vst v63  }
0xcf: {  	s31 =	simm.s32 $0x2700  }
0xd0: {  	[tilespmem:s31], [sflag:$0x1] =	stream.indirect_vreg.gather [hbm4b:s1+s3], $0x80, v3, vm0, $0xb8;
	[tilespmem:$0x1C700] =	vst v63  }
0xd1: {  	s31 =	simm.s32 $0x2F00  }
0xd2: {  	[tilespmem:s31], [sflag:$0x1] =	stream.indirect_vreg.gather [hbm4b:s5+s3], $0x80, v3, vm0, $0xb8;
	[tilespmem:$0x1C700] =	vst v63  }
0xd3: {  	s31 =	simm.s32 $0x3700  }
0xd4: {  	[tilespmem:s31], [sflag:$0x1] =	stream.indirect_vreg.gather [hbm4b:s6+s3], $0x80, v3, vm0, $0xb8;
	[tilespmem:$0x1C700] =	vst v63  }
0xd5: {  	s31 =	simm.s32 $0x3F00  }
0xd6: {  	[tilespmem:s31], [sflag:$0x1] =	stream.indirect_vreg.gather [hbm4b:s7+s3], $0x80, v3, vm0, $0xb8;
	[tilespmem:$0x1C700] =	vst v63  }
0xd7: {  	v3 =	vld [tilespmem:s26+$0x80];
	_ =	sdelay $0x4  }
0xd8: {  	v57 =	vshll.u32 v3, $0x3  }
0xd9: {  	v3 =	vand.u32 $0x7, v3;
	v4 =	vand.u32 $0xFFFFFFC0, v57  }
0xda: {  	v3 =	vor.u32 v3, v4  }
0xdb: {  	v4 =	vperm.xlane v3, v0;
	_ =	sdelay $0x1  }
0xdc: {  	v4 =	vadd.s32 v1, v4;
	_ =	sdelay $0x3  }
0xdd: {  	s31 =	simm.s32 $0x4700  }
0xde: {  	[tilespmem:s31], [sflag:$0x1] =	stream.indirect_vreg.gather [hbm4b:s1+s3], $0x80, v4, vm0, $0xb8;
	[tilespmem:$0x1C700] =	vst v63  }
0xdf: {  	v3 =	vperm.xlane v3, v2;
	s31 =	simm.s32 $0x4F00  }
0xe0: {  	[tilespmem:s31], [sflag:$0x1] =	stream.indirect_vreg.gather [hbm4b:s5+s3], $0x80, v4, vm0, $0xb8;
	[tilespmem:$0x1C700] =	vst v63  }
0xe1: {  	v3 =	vadd.s32 v1, v3;
	s31 =	simm.s32 $0x5700  }
0xe2: {  	[tilespmem:s31], [sflag:$0x1] =	stream.indirect_vreg.gather [hbm4b:s6+s3], $0x80, v4, vm0, $0xb8;
	[tilespmem:$0x1C700] =	vst v63  }
0xe3: {  	s31 =	simm.s32 $0x5F00  }
0xe4: {  	[tilespmem:s31], [sflag:$0x1] =	stream.indirect_vreg.gather [hbm4b:s7+s3], $0x80, v4, vm0, $0xb8;
	[tilespmem:$0x1C700] =	vst v63  }
0xe5: {  	s31 =	simm.s32 $0x6700  }
0xe6: {  	[tilespmem:s31], [sflag:$0x1] =	stream.indirect_vreg.gather [hbm4b:s1+s3], $0x80, v3, vm0, $0xb8;
	[tilespmem:$0x1C700] =	vst v63  }
0xe7: {  	s31 =	simm.s32 $0x6F00  }
0xe8: {  	[tilespmem:s31], [sflag:$0x1] =	stream.indirect_vreg.gather [hbm4b:s5+s3], $0x80, v3, vm0, $0xb8;
	[tilespmem:$0x1C700] =	vst v63  }
0xe9: {  	s31 =	simm.s32 $0x7700  }
0xea: {  	[tilespmem:s31], [sflag:$0x1] =	stream.indirect_vreg.gather [hbm4b:s6+s3], $0x80, v3, vm0, $0xb8;
	[tilespmem:$0x1C700] =	vst v63  }
0xeb: {  	s31 =	simm.s32 $0x7F00  }
0xec: {  	[tilespmem:s31], [sflag:$0x1] =	stream.indirect_vreg.gather [hbm4b:s7+s3], $0x80, v3, vm0, $0xb8;
	[tilespmem:$0x1C700] =	vst v63  }
0xed: {  	v3 =	vld [tilespmem:s26+$0x90];
	_ =	sdelay $0x4  }
0xee: {  	v58 =	vshll.u32 v3, $0x3  }
0xef: {  	v3 =	vand.u32 $0x7, v3;
	v4 =	vand.u32 $0xFFFFFFC0, v58  }
0xf0: {  	v3 =	vor.u32 v3, v4  }
0xf1: {  	v4 =	vperm.xlane v3, v0;
	_ =	sdelay $0x1  }
0xf2: {  	v4 =	vadd.s32 v1, v4;
	_ =	sdelay $0x3  }
0xf3: {  	s31 =	simm.s32 $0x8700  }
0xf4: {  	[tilespmem:s31], [sflag:$0x1] =	stream.indirect_vreg.gather [hbm4b:s1+s3], $0x80, v4, vm0, $0xb8;
	[tilespmem:$0x1C700] =	vst v63  }
0xf5: {  	v3 =	vperm.xlane v3, v2;
	s31 =	simm.s32 $0x8F00  }
0xf6: {  	[tilespmem:s31], [sflag:$0x1] =	stream.indirect_vreg.gather [hbm4b:s5+s3], $0x80, v4, vm0, $0xb8;
	[tilespmem:$0x1C700] =	vst v63  }
0xf7: {  	v3 =	vadd.s32 v1, v3;
	s31 =	simm.s32 $0x9700  }
0xf8: {  	[tilespmem:s31], [sflag:$0x1] =	stream.indirect_vreg.gather [hbm4b:s6+s3], $0x80, v4, vm0, $0xb8;
	[tilespmem:$0x1C700] =	vst v63  }
0xf9: {  	s31 =	simm.s32 $0x9F00  }
0xfa: {  	[tilespmem:s31], [sflag:$0x1] =	stream.indirect_vreg.gather [hbm4b:s7+s3], $0x80, v4, vm0, $0xb8;
	[tilespmem:$0x1C700] =	vst v63  }
0xfb: {  	s31 =	simm.s32 $0xA700  }
0xfc: {  	[tilespmem:s31], [sflag:$0x1] =	stream.indirect_vreg.gather [hbm4b:s1+s3], $0x80, v3, vm0, $0xb8;
	[tilespmem:$0x1C700] =	vst v63  }
0xfd: {  	s31 =	simm.s32 $0xAF00  }
0xfe: {  	[tilespmem:s31], [sflag:$0x1] =	stream.indirect_vreg.gather [hbm4b:s5+s3], $0x80, v3, vm0, $0xb8;
	[tilespmem:$0x1C700] =	vst v63  }
0xff: {  	s31 =	simm.s32 $0xB700  }
0x100: {  	[tilespmem:s31], [sflag:$0x1] =	stream.indirect_vreg.gather [hbm4b:s6+s3], $0x80, v3, vm0, $0xb8;
	[tilespmem:$0x1C700] =	vst v63  }
0x101: {  	s31 =	simm.s32 $0xBF00  }
0x102: {  	[tilespmem:s31], [sflag:$0x1] =	stream.indirect_vreg.gather [hbm4b:s7+s3], $0x80, v3, vm0, $0xb8;
	[tilespmem:$0x1C700] =	vst v63  }
0x103: {  	v3 =	vld.msk [tilespmem:s26+$0xA0], $0xff;
	_ =	sdelay $0x4  }
0x104: {  	v59 =	vshll.u32 v3, $0x3  }
0x105: {  	v3 =	vand.u32 $0x7, v3;
	v4 =	vand.u32 $0xFFFFFFC0, v59  }
0x106: {  	v3 =	vor.u32 v3, v4  }
0x107: {  	v3 =	vperm.xlane v3, v0;
	_ =	sdelay $0x1  }
0x108: {  	v3 =	vadd.s32 v1, v3;
	_ =	sdelay $0x3  }
0x109: {  	s31 =	simm.s32 $0xC700  }
0x10a: {  	[tilespmem:s31], [sflag:$0x1] =	stream.indirect_vreg.gather [hbm4b:s1+s3], $0x80, v3, vm0, $0xb8;
	[tilespmem:$0x1C700] =	vst v63  }
0x10b: {  	s31 =	simm.s32 $0xCF00  }
0x10c: {  	[tilespmem:s31], [sflag:$0x1] =	stream.indirect_vreg.gather [hbm4b:s5+s3], $0x80, v3, vm0, $0xb8;
	[tilespmem:$0x1C700] =	vst v63  }
0x10d: {  	s31 =	simm.s32 $0xD700  }
0x10e: {  	[tilespmem:s31], [sflag:$0x1] =	stream.indirect_vreg.gather [hbm4b:s6+s3], $0x80, v3, vm0, $0xb8;
	[tilespmem:$0x1C700] =	vst v63  }
0x10f: {  	s26 =	smin.u32 s25, $0x1C;
	s31 =	simm.s32 $0xDF00  }
0x110: {  	[tilespmem:s31], [sflag:$0x1] =	stream.indirect_vreg.gather [hbm4b:s7+s3], $0x80, v3, vm0, $0xb8;
	[tilespmem:$0x1C700] =	vst v63  }
0x111: {  	s26 =	smul.u32 $0xE0, s26;
	_ =	swait.ge [sflag:s23], $0xE000  }
0x112: {  	[sflag:s23] =	ssyncset.done $0x0  }
0x113: {  	s26 =	sshrl.u32 s26, $0x2;
	[sflag:s23] =	ssyncadd.s32 $0xFFFF2000  }
0x114: {  	v3 =	vld [tilespmem:s26+$0xA8];
	_ =	sdelay $0x4  }
0x115: {  	v60 =	vshll.u32 v3, $0x3  }
0x116: {  	v3 =	vand.u32 $0x7, v3;
	v4 =	vand.u32 $0xFFFFFFC0, v60  }
0x117: {  	v3 =	vor.u32 v3, v4  }
0x118: {  	v4 =	vperm.xlane v3, v0;
	_ =	sdelay $0x1  }
0x119: {  	v4 =	vadd.s32 v1, v4;
	_ =	sdelay $0x4  }
0x11a: {  	[tilespmem:s16], [sflag:$0x2] =	stream.indirect_vreg.gather [hbm4b:s1+s3], $0x80, v4, vm0, $0xb8;
	[tilespmem:$0x1C700] =	vst v63  }
0x11b: {  	s31 =	simm.s32 $0xEF00;
	v3 =	vperm.xlane v3, v2  }
0x11c: {  	[tilespmem:s31], [sflag:$0x2] =	stream.indirect_vreg.gather [hbm4b:s5+s3], $0x80, v4, vm0, $0xb8;
	[tilespmem:$0x1C700] =	vst v63  }
0x11d: {  	v3 =	vadd.s32 v1, v3;
	s31 =	simm.s32 $0xF700  }
0x11e: {  	[tilespmem:s31], [sflag:$0x2] =	stream.indirect_vreg.gather [hbm4b:s6+s3], $0x80, v4, vm0, $0xb8;
	[tilespmem:$0x1C700] =	vst v63  }
0x11f: {  	s31 =	simm.s32 $0xFF00  }
0x120: {  	[tilespmem:s31], [sflag:$0x2] =	stream.indirect_vreg.gather [hbm4b:s7+s3], $0x80, v4, vm0, $0xb8;
	[tilespmem:$0x1C700] =	vst v63  }
0x121: {  	s31 =	simm.s32 $0x10700  }
0x122: {  	[tilespmem:s31], [sflag:$0x2] =	stream.indirect_vreg.gather [hbm4b:s1+s3], $0x80, v3, vm0, $0xb8;
	[tilespmem:$0x1C700] =	vst v63  }
0x123: {  	s31 =	simm.s32 $0x10F00  }
0x124: {  	[tilespmem:s31], [sflag:$0x2] =	stream.indirect_vreg.gather [hbm4b:s5+s3], $0x80, v3, vm0, $0xb8;
	[tilespmem:$0x1C700] =	vst v63  }
0x125: {  	s31 =	simm.s32 $0x11700  }
0x126: {  	[tilespmem:s31], [sflag:$0x2] =	stream.indirect_vreg.gather [hbm4b:s6+s3], $0x80, v3, vm0, $0xb8;
	[tilespmem:$0x1C700] =	vst v63  }
0x127: {  	s31 =	simm.s32 $0x11F00  }
0x128: {  	[tilespmem:s31], [sflag:$0x2] =	stream.indirect_vreg.gather [hbm4b:s7+s3], $0x80, v3, vm0, $0xb8;
	[tilespmem:$0x1C700] =	vst v63  }
0x129: {  	v3 =	vld [tilespmem:s26+$0xB8];
	_ =	sdelay $0x4  }
0x12a: {  	v61 =	vshll.u32 v3, $0x3  }
0x12b: {  	v3 =	vand.u32 $0x7, v3;
	v4 =	vand.u32 $0xFFFFFFC0, v61  }
0x12c: {  	v3 =	vor.u32 v3, v4  }
0x12d: {  	v4 =	vperm.xlane v3, v0;
	_ =	sdelay $0x1  }
0x12e: {  	v4 =	vadd.s32 v1, v4;
	_ =	sdelay $0x3  }
0x12f: {  	s31 =	simm.s32 $0x12700  }
0x130: {  	[tilespmem:s31], [sflag:$0x2] =	stream.indirect_vreg.gather [hbm4b:s1+s3], $0x80, v4, vm0, $0xb8;
	[tilespmem:$0x1C700] =	vst v63  }
0x131: {  	v3 =	vperm.xlane v3, v2;
	s31 =	simm.s32 $0x12F00  }
0x132: {  	[tilespmem:s31], [sflag:$0x2] =	stream.indirect_vreg.gather [hbm4b:s5+s3], $0x80, v4, vm0, $0xb8;
	[tilespmem:$0x1C700] =	vst v63  }
0x133: {  	v3 =	vadd.s32 v1, v3;
	s31 =	simm.s32 $0x13700  }
0x134: {  	[tilespmem:s31], [sflag:$0x2] =	stream.indirect_vreg.gather [hbm4b:s6+s3], $0x80, v4, vm0, $0xb8;
	[tilespmem:$0x1C700] =	vst v63  }
0x135: {  	s31 =	simm.s32 $0x13F00  }
0x136: {  	[tilespmem:s31], [sflag:$0x2] =	stream.indirect_vreg.gather [hbm4b:s7+s3], $0x80, v4, vm0, $0xb8;
	[tilespmem:$0x1C700] =	vst v63  }
0x137: {  	_ = 	snop  }
0x138: {  	[tilespmem:s0], [sflag:$0x2] =	stream.indirect_vreg.gather [hbm4b:s1+s3], $0x80, v3, vm0, $0xb8;
	[tilespmem:$0x1C700] =	vst v63  }
0x139: {  	_ = 	snop  }
0x13a: {  	[tilespmem:s2], [sflag:$0x2] =	stream.indirect_vreg.gather [hbm4b:s5+s3], $0x80, v3, vm0, $0xb8;
	[tilespmem:$0x1C700] =	vst v63  }
0x13b: {  	_ = 	snop  }
0x13c: {  	[tilespmem:s10], [sflag:$0x2] =	stream.indirect_vreg.gather [hbm4b:s6+s3], $0x80, v3, vm0, $0xb8;
	[tilespmem:$0x1C700] =	vst v63  }
0x13d: {  	_ = 	snop  }
0x13e: {  	[tilespmem:s11], [sflag:$0x2] =	stream.indirect_vreg.gather [hbm4b:s7+s3], $0x80, v3, vm0, $0xb8;
	[tilespmem:$0x1C700] =	vst v63  }
0x13f: {  	v3 =	vld [tilespmem:s26+$0xC8];
	_ =	sdelay $0x4  }
0x140: {  	v62 =	vshll.u32 v3, $0x3  }
0x141: {  	v3 =	vand.u32 $0x7, v3;
	v4 =	vand.u32 $0xFFFFFFC0, v62  }
0x142: {  	v3 =	vor.u32 v3, v4  }
0x143: {  	v4 =	vperm.xlane v3, v0;
	_ =	sdelay $0x1  }
0x144: {  	v4 =	vadd.s32 v1, v4;
	_ =	sdelay $0x4  }
0x145: {  	[tilespmem:s4], [sflag:$0x2] =	stream.indirect_vreg.gather [hbm4b:s1+s3], $0x80, v4, vm0, $0xb8;
	[tilespmem:$0x1C700] =	vst v63  }
0x146: {  	v3 =	vperm.xlane v3, v2  }
0x147: {  	[tilespmem:s8], [sflag:$0x2] =	stream.indirect_vreg.gather [hbm4b:s5+s3], $0x80, v4, vm0, $0xb8;
	[tilespmem:$0x1C700] =	vst v63  }
0x148: {  	v3 =	vadd.s32 v1, v3  }
0x149: {  	[tilespmem:s9], [sflag:$0x2] =	stream.indirect_vreg.gather [hbm4b:s6+s3], $0x80, v4, vm0, $0xb8;
	[tilespmem:$0x1C700] =	vst v63  }
0x14a: {  	_ = 	snop  }
0x14b: {  	[tilespmem:s12], [sflag:$0x2] =	stream.indirect_vreg.gather [hbm4b:s7+s3], $0x80, v4, vm0, $0xb8;
	[tilespmem:$0x1C700] =	vst v63  }
0x14c: {  	_ = 	snop  }
0x14d: {  	[tilespmem:s14], [sflag:$0x2] =	stream.indirect_vreg.gather [hbm4b:s1+s3], $0x80, v3, vm0, $0xb8;
	[tilespmem:$0x1C700] =	vst v63  }
0x14e: {  	_ = 	snop  }
0x14f: {  	[tilespmem:s15], [sflag:$0x2] =	stream.indirect_vreg.gather [hbm4b:s5+s3], $0x80, v3, vm0, $0xb8;
	[tilespmem:$0x1C700] =	vst v63  }
0x150: {  	_ = 	snop  }
0x151: {  	[tilespmem:s17], [sflag:$0x2] =	stream.indirect_vreg.gather [hbm4b:s6+s3], $0x80, v3, vm0, $0xb8;
	[tilespmem:$0x1C700] =	vst v63  }
0x152: {  	_ = 	snop  }
0x153: {  	[tilespmem:s18], [sflag:$0x2] =	stream.indirect_vreg.gather [hbm4b:s7+s3], $0x80, v3, vm0, $0xb8;
	[tilespmem:$0x1C700] =	vst v63  }
0x154: {  	v3 =	vld.msk [tilespmem:s26+$0xD8], $0xff;
	_ =	sdelay $0x4  }
0x155: {  	v63 =	vshll.u32 v3, $0x3  }
0x156: {  	v3 =	vand.u32 $0x7, v3;
	v4 =	vand.u32 $0xFFFFFFC0, v63  }
0x157: {  	v3 =	vor.u32 v3, v4  }
0x158: {  	v3 =	vperm.xlane v3, v0;
	_ =	sdelay $0x1  }
0x159: {  	v3 =	vadd.s32 v1, v3;
	_ =	sdelay $0x4  }
0x15a: {  	[tilespmem:s19], [sflag:$0x2] =	stream.indirect_vreg.gather [hbm4b:s1+s3], $0x80, v3, vm0, $0xb8;
	[tilespmem:$0x1C700] =	vst v63  }
0x15b: {  	p0 =	sne.s32 s25, $0x1E  }
0x15c: {  	[tilespmem:s28], [sflag:$0x2] =	stream.indirect_vreg.gather [hbm4b:s5+s3], $0x80, v3, vm0, $0xb8;
	[tilespmem:$0x1C700] =	vst v63  }
.Ltmp0:
0x15d: {  	_ = 	snop;
	(pc) =	sbr.rel @p0 .LBB2_2-.Ltmp0, $4  }
0x15e: {  	_ = 	snop  }
0x15f: {  	[tilespmem:s29], [sflag:$0x2] =	stream.indirect_vreg.gather [hbm4b:s6+s3], $0x80, v3, vm0, $0xb8;
	[tilespmem:$0x1C700] =	vst v63  }
0x160: {  	s24 =	sadd.s32 $0x3800, s24;
	s25 =	sadd.s32 $0x2, s25  }
0x161: {  	[tilespmem:s30], [sflag:$0x2] =	stream.indirect_vreg.gather [hbm4b:s7+s3], $0x80, v3, vm0, $0xb8;
	[tilespmem:$0x1C700] =	vst v63  }
0x162: {  	_ =	swait.ge [sflag:s20], $0xE000  }
0x163: {  	[sflag:s20] =	ssyncset.done $0x0  }
0x164: {  	[sflag:s20] =	ssyncadd.s32 $0xFFFF2000  }
0x165: {  	_ =	swait.ge [sflag:s21], $0xE000  }
0x166: {  	s0 =	rddreg [dreg:$0x7]  }
0x167: {  	s24 =	rddreg [dreg:$0x5];
	s0 =	sadd.s32 $0x1, s0  }
0x168: {  	p0 =	sne.s32 s0, s24  }
.Ltmp1:
0x169: {  	_ = 	snop;
	(pc) =	sbr.rel @p0 .LBB2_1-.Ltmp1, $3  }
0x16a: {  	_ =	sdelay $0x1  }
0x16b: {  	[sflag:s21] =	ssyncset.done $0x0  }
0x16c: {  	[sflag:s21] =	ssyncadd.s32 $0xFFFF2000  }
0x16d: {  	_ =	sfence.sel $0x180000  }
0x16e: {  	[bflag:$0x0] =	sbarrier.arrive $0xFFFF  }
0x16f: {  	_ =	strace $0x90000047  }
0x170: {  	s0 =	stileid.u32;
	[bflag:$0x2] =	sbarrier.arrive $0xFFFF  }
0x171: {  	p0 =	sne.s32 s0, $0x0;
	s0 =	rddreg [dreg:$0x3]  }
0x172: {  	s0 =	sadd.s32 @!p0 $0x100000, s0  }
0x173: {  	[sflag:s0] =	ssyncadd.tile.s32 @!p0 $0x1;
	_ =	shalt  }
.Lfunc_end2:
_tile_overlayer_lowered:
.L_overlay_start_2:
0x174: {  	(tag) =	ssettag $0x2  }
0x175: {  	s0 =	rddreg [dreg:$0x0];
	s2 =	stileid.u32  }
0x176: {  	s1 =	rddreg [dreg:$0x1];
	p0 =	sne.s32 s2, $0x0  }
0x177: {  	s3 =	rddreg [dreg:$0x2];
	[bflag:$0x3] =	sbarrier.arrive $0xFFFF;
	s2 =	simm.s32 @!p0 $0x1C05  }
0x178: {  	[timem:s3], [sflag:s2] =	dma.local @!p0 [hbm:s0], s1  }
0x179: {  	s0 =	simm.s32 @!p0 $0x5  }
0x17a: {  	_ =	swait.ge @!p0 [sflag:s0], s1  }
0x17b: {  	s1 =	ssub.s32 @!p0 $0x0, s1;
	[sflag:s0] =	ssyncset.done @!p0 $0x0  }
0x17c: {  	[sflag:s0] =	ssyncadd.s32 @!p0 s1  }
0x17d: {  	[bflag:$0x3] =	sbarrier.arrive $0xFFFF  }
0x17e: {  	_ =	shalt  }

</sc_bundles>
